<compile_context>
chip_gen: v7x
topology: tpu7x:2x2x1
jax: 0.10.2.dev20260603
libtpu: 0.0.44.dev20260713+nightly
codegen_flags: <defaults>
</compile_context>

<pallas_src>
import functools

import jax
import jax.numpy as jnp
from jax import lax
from jax.experimental import pallas as pl
from jax.experimental.pallas import tpu as pltpu
from jax.experimental.pallas import tpu_sc as plsc

_TABLE_ROWS = 8192
_D = 1024
_B_TOTAL = 8192
_NC = 2
_NS = 16
_NW = _NC * _NS
_B_PER_W = _B_TOTAL // _NW
_CHUNK = 8
_N_CHUNKS = _B_PER_W // _CHUNK
_NBUF = 15
_W_PER_B = 8


def _gather_sc(table, idx):
  mesh = plsc.VectorSubcoreMesh(core_axis_name="c", subcore_axis_name="s")

  @functools.partial(
      pl.kernel,
      mesh=mesh,
      out_type=jax.ShapeDtypeStruct((_B_TOTAL, _D), jnp.float32),
      scratch_types=[
          pltpu.VMEM((_B_PER_W,), jnp.int32),
      ] + [pltpu.VMEM((_CHUNK, _D), jnp.float32) for _ in range(_NBUF)]
        + [pltpu.SemaphoreType.DMA for _ in range(2 * _NBUF)],
  )
  def k(table_hbm, idx_hbm, out_hbm, idx_v, *rest):
    bufs = rest[:_NBUF]
    sgs = rest[_NBUF:2 * _NBUF]
    sws = rest[2 * _NBUF:]
    wid = lax.axis_index("s") * _NC + lax.axis_index("c")
    base = wid * _B_PER_W
    pltpu.sync_copy(
        idx_hbm.at[wid // _W_PER_B,
                   pl.ds((wid % _W_PER_B) * _B_PER_W, _B_PER_W)], idx_v)

    gathers = [None] * _N_CHUNKS
    writes = [None] * _N_CHUNKS
    for c in range(min(_NBUF - 1, _N_CHUNKS)):
      gathers[c] = pltpu.async_copy(
          table_hbm.at[idx_v.at[pl.ds(c * _CHUNK, _CHUNK)]],
          bufs[c % _NBUF], sgs[c % _NBUF])
    for c in range(_N_CHUNKS):
      gathers[c].wait()
      writes[c] = pltpu.async_copy(
          bufs[c % _NBUF], out_hbm.at[pl.ds(base + c * _CHUNK, _CHUNK)],
          sws[c % _NBUF])
      nxt = c + _NBUF - 1
      if nxt < _N_CHUNKS:
        if c >= 1:
          writes[c - 1].wait()
        gathers[nxt] = pltpu.async_copy(
            table_hbm.at[idx_v.at[pl.ds(nxt * _CHUNK, _CHUNK)]],
            bufs[nxt % _NBUF], sgs[nxt % _NBUF])
    for c in range(max(0, _N_CHUNKS - _NBUF), _N_CHUNKS):
      writes[c].wait()

  return k(table, idx)


def kernel(position_ids, pos_emb):
  batch, seq = position_ids.shape
  table = pos_emb.reshape(_TABLE_ROWS, _D)
  out = _gather_sc(table, position_ids)
  return out.reshape(1, batch, seq, _D)

# --- scband reference (transcript-rebuilt; emitter-appended) ---
"""Pipeline reference for scband-positional-embedding-14637248545041 (READ-ONLY COPY).

The authoritative reference and input builder live on the scoring server;
editing this copy changes nothing except your own understanding.
"""

import jax, jax.numpy as jnp
import numpy as np

BLOCK_SIZE = 8192
N_EMBD = 1024
BATCH = 4
SEQ = 2048

def setup_inputs(seed: int = 0) -> dict:
    key = jax.random.key(seed)
    position_ids = jnp.arange(BATCH * SEQ, dtype=jnp.int32).reshape(BATCH, SEQ)
    pos_emb = jax.random.normal(key, (1, BLOCK_SIZE, N_EMBD), dtype=jnp.float32) * 0.02
    return {"position_ids": position_ids, "pos_emb": pos_emb}

def reference(position_ids, pos_emb):
    # pos_emb: [1, block_size, n_embd]; gather along position axis.
    # Equivalent to torch pos_emb[:, position_ids, :]; dropout p=0.0 is identity.
    out = jnp.take(pos_emb, position_ids, axis=1)  # [1, B, S, n_embd]
    return out

if __name__ == "__main__":
    import jax
    _d = setup_inputs()
    print(jax.jit(kernel)(*tuple(_d.values())))

</pallas_src>

<mosaic_0001>
#map = affine_map<(d0, d1) -> (0, 0)>
module attributes {stable_mosaic.version = 14 : i64} {
  func.func @k(%arg0: i32, %arg1: i32, %arg2: memref<8192x1024xf32, #tpu.memory_space<hbm>>, %arg3: memref<4x2048xi32, #tpu.memory_space<hbm>>, %arg4: memref<8192x1024xf32, #tpu.memory_space<hbm>>, %arg5: memref<256xi32, #tpu.memory_space<vmem>>, %arg6: memref<8x1024xf32, #tpu.memory_space<vmem>>, %arg7: memref<8x1024xf32, #tpu.memory_space<vmem>>, %arg8: memref<8x1024xf32, #tpu.memory_space<vmem>>, %arg9: memref<8x1024xf32, #tpu.memory_space<vmem>>, %arg10: memref<8x1024xf32, #tpu.memory_space<vmem>>, %arg11: memref<8x1024xf32, #tpu.memory_space<vmem>>, %arg12: memref<8x1024xf32, #tpu.memory_space<vmem>>, %arg13: memref<8x1024xf32, #tpu.memory_space<vmem>>, %arg14: memref<8x1024xf32, #tpu.memory_space<vmem>>, %arg15: memref<8x1024xf32, #tpu.memory_space<vmem>>, %arg16: memref<8x1024xf32, #tpu.memory_space<vmem>>, %arg17: memref<8x1024xf32, #tpu.memory_space<vmem>>, %arg18: memref<8x1024xf32, #tpu.memory_space<vmem>>, %arg19: memref<8x1024xf32, #tpu.memory_space<vmem>>, %arg20: memref<8x1024xf32, #tpu.memory_space<vmem>>, %arg21: memref<!tpu.dma_semaphore, #tpu.memory_space<semaphore_mem>>, %arg22: memref<!tpu.dma_semaphore, #tpu.memory_space<semaphore_mem>>, %arg23: memref<!tpu.dma_semaphore, #tpu.memory_space<semaphore_mem>>, %arg24: memref<!tpu.dma_semaphore, #tpu.memory_space<semaphore_mem>>, %arg25: memref<!tpu.dma_semaphore, #tpu.memory_space<semaphore_mem>>, %arg26: memref<!tpu.dma_semaphore, #tpu.memory_space<semaphore_mem>>, %arg27: memref<!tpu.dma_semaphore, #tpu.memory_space<semaphore_mem>>, %arg28: memref<!tpu.dma_semaphore, #tpu.memory_space<semaphore_mem>>, %arg29: memref<!tpu.dma_semaphore, #tpu.memory_space<semaphore_mem>>, %arg30: memref<!tpu.dma_semaphore, #tpu.memory_space<semaphore_mem>>, %arg31: memref<!tpu.dma_semaphore, #tpu.memory_space<semaphore_mem>>, %arg32: memref<!tpu.dma_semaphore, #tpu.memory_space<semaphore_mem>>, %arg33: memref<!tpu.dma_semaphore, #tpu.memory_space<semaphore_mem>>, %arg34: memref<!tpu.dma_semaphore, #tpu.memory_space<semaphore_mem>>, %arg35: memref<!tpu.dma_semaphore, #tpu.memory_space<semaphore_mem>>, %arg36: memref<!tpu.dma_semaphore, #tpu.memory_space<semaphore_mem>>, %arg37: memref<!tpu.dma_semaphore, #tpu.memory_space<semaphore_mem>>, %arg38: memref<!tpu.dma_semaphore, #tpu.memory_space<semaphore_mem>>, %arg39: memref<!tpu.dma_semaphore, #tpu.memory_space<semaphore_mem>>, %arg40: memref<!tpu.dma_semaphore, #tpu.memory_space<semaphore_mem>>, %arg41: memref<!tpu.dma_semaphore, #tpu.memory_space<semaphore_mem>>, %arg42: memref<!tpu.dma_semaphore, #tpu.memory_space<semaphore_mem>>, %arg43: memref<!tpu.dma_semaphore, #tpu.memory_space<semaphore_mem>>, %arg44: memref<!tpu.dma_semaphore, #tpu.memory_space<semaphore_mem>>, %arg45: memref<!tpu.dma_semaphore, #tpu.memory_space<semaphore_mem>>, %arg46: memref<!tpu.dma_semaphore, #tpu.memory_space<semaphore_mem>>, %arg47: memref<!tpu.dma_semaphore, #tpu.memory_space<semaphore_mem>>, %arg48: memref<!tpu.dma_semaphore, #tpu.memory_space<semaphore_mem>>, %arg49: memref<!tpu.dma_semaphore, #tpu.memory_space<semaphore_mem>>, %arg50: memref<!tpu.dma_semaphore, #tpu.memory_space<semaphore_mem>>) attributes {dimension_semantics = [#tpu.dimension_semantics<core_parallel>, #tpu.dimension_semantics<subcore_parallel>], iteration_bounds = array<i64: 2, 16>, scalar_prefetch = 0 : i64, scratch_operands = 46 : i64, tpu.core_type = #tpu.core_type<sc_vector_subcore>, window_params = [{transform_indices = #map}, {transform_indices = #map}, {transform_indices = #map}]} {
    %mul3A = arith.constant 2 : i32
    %mul3A_0 = arith.muli %arg1, %mul3A : i32
    %add3A = arith.addi %mul3A_0, %arg0 : i32
    %mul3A_1 = arith.constant 256 : i32
    %mul3A_2 = arith.muli %add3A, %mul3A_1 : i32
    %jit3A = arith.constant 8 : i32
    %div3A = arith.divsi %add3A, %jit3A : i32
    %sign3A = arith.constant 0 : i32
    %sign3A_3 = arith.cmpi sgt, %add3A, %sign3A : i32
    %sign3A_4 = arith.extui %sign3A_3 : i1 to i32
    %sign3A_5 = arith.constant 0 : i32
    %sign3A_6 = arith.cmpi slt, %add3A, %sign3A_5 : i32
    %sign3A_7 = arith.extui %sign3A_6 : i1 to i32
    %sign3A_8 = arith.subi %sign3A_4, %sign3A_7 : i32
    %sign3A_9 = arith.constant 0 : i32
    %sign3A_10 = arith.cmpi sgt, %jit3A, %sign3A_9 : i32
    %sign3A_11 = arith.extui %sign3A_10 : i1 to i32
    %sign3A_12 = arith.constant 0 : i32
    %sign3A_13 = arith.cmpi slt, %jit3A, %sign3A_12 : i32
    %sign3A_14 = arith.extui %sign3A_13 : i1 to i32
    %sign3A_15 = arith.subi %sign3A_11, %sign3A_14 : i32
    %ne3A = arith.cmpi ne, %sign3A_8, %sign3A_15 : i32
    %rem3A = arith.remsi %add3A, %jit3A : i32
    %ne3A_16 = arith.constant 0 : i32
    %ne3A_17 = arith.cmpi ne, %rem3A, %ne3A_16 : i32
    %and3A = arith.andi %ne3A, %ne3A_17 : i1
    %sub3A = arith.constant 1 : i32
    %sub3A_18 = arith.subi %div3A, %sub3A : i32
    %select_n3A = arith.select %and3A, %sub3A_18, %div3A : i32
    %jit3A_19 = arith.constant 8 : i32
    %eq3A = arith.constant 0 : i32
    %eq3A_20 = arith.cmpi eq, %jit3A_19, %eq3A : i32
    %jit3A_21 = arith.constant 1 : i32
    %select_n3A_22 = arith.select %eq3A_20, %jit3A_21, %jit3A_19 : i32
    %rem3A_23 = arith.remsi %add3A, %select_n3A_22 : i32
    %ne3A_24 = arith.constant 0 : i32
    %ne3A_25 = arith.cmpi ne, %rem3A_23, %ne3A_24 : i32
    %lt3A = arith.constant 0 : i32
    %lt3A_26 = arith.cmpi slt, %rem3A_23, %lt3A : i32
    %lt3A_27 = arith.constant 0 : i32
    %lt3A_28 = arith.cmpi slt, %select_n3A_22, %lt3A_27 : i32
    %ne3A_29 = arith.xori %lt3A_26, %lt3A_28 : i1
    %and3A_30 = arith.andi %ne3A_29, %ne3A_25 : i1
    %add3A_31 = arith.addi %rem3A_23, %select_n3A_22 : i32
    %select_n3A_32 = arith.select %and3A_30, %add3A_31, %rem3A_23 : i32
    %mul3A_33 = arith.constant 256 : i32
    %mul3A_34 = arith.muli %select_n3A_32, %mul3A_33 : i32
    "tpu.region"() ({
      %run_scoped3A = tpu.sem_alloc : memref<!tpu.dma_semaphore, #tpu.memory_space<semaphore_mem>>
      %dma_start3A_673 = tpu.memref_slice %arg3[%select_n3A, %mul3A_34] : memref<4x2048xi32, #tpu.memory_space<hbm>> -> memref<1x256xi32, #tpu.memory_space<hbm>>
      %dma_start3A_674 = tpu.memref_squeeze %dma_start3A_673 : memref<1x256xi32, #tpu.memory_space<hbm>> -> memref<256xi32, #tpu.memory_space<hbm>>
      %dma_start3A_675 = tpu.memref_slice %arg3[%select_n3A, %mul3A_34] : memref<4x2048xi32, #tpu.memory_space<hbm>> -> memref<1x256xi32, #tpu.memory_space<hbm>>
      %dma_start3A_676 = tpu.memref_squeeze %dma_start3A_675 : memref<1x256xi32, #tpu.memory_space<hbm>> -> memref<256xi32, #tpu.memory_space<hbm>>
      tpu.enqueue_dma source(%dma_start3A_676 : memref<256xi32, #tpu.memory_space<hbm>>) target(%arg5 : memref<256xi32, #tpu.memory_space<vmem>>) target_semaphore(%run_scoped3A : memref<!tpu.dma_semaphore, #tpu.memory_space<semaphore_mem>>)
      %dma_wait3A_677 = tpu.memref_slice %arg3[%select_n3A, %mul3A_34] : memref<4x2048xi32, #tpu.memory_space<hbm>> -> memref<1x256xi32, #tpu.memory_space<hbm>>
      %dma_wait3A_678 = tpu.memref_squeeze %dma_wait3A_677 : memref<1x256xi32, #tpu.memory_space<hbm>> -> memref<256xi32, #tpu.memory_space<hbm>>
      %dma_wait3A_679 = tpu.memref_slice %arg3[%select_n3A, %mul3A_34] : memref<4x2048xi32, #tpu.memory_space<hbm>> -> memref<1x256xi32, #tpu.memory_space<hbm>>
      %dma_wait3A_680 = tpu.memref_squeeze %dma_wait3A_679 : memref<1x256xi32, #tpu.memory_space<hbm>> -> memref<256xi32, #tpu.memory_space<hbm>>
      tpu.wait_dma2 semaphore(%run_scoped3A : memref<!tpu.dma_semaphore, #tpu.memory_space<semaphore_mem>>) src(%dma_wait3A_680 : memref<256xi32, #tpu.memory_space<hbm>>) dst(%arg5 : memref<256xi32, #tpu.memory_space<vmem>>)
      tpu.yield
    }) : () -> ()
    %dma_start3A = arith.constant 0 : i32
    %dma_start3A_35 = tpu.memref_slice %arg5[%dma_start3A] : memref<256xi32, #tpu.memory_space<vmem>> -> memref<8xi32, #tpu.memory_space<vmem>>
    %dma_start3A_36 = arith.constant 0 : i32
    %dma_start3A_37 = arith.constant 0 : i32
    %dma_start3A_38 = tpu.memref_slice %arg2[%dma_start3A_36, %dma_start3A_37] : memref<8192x1024xf32, #tpu.memory_space<hbm>> -> memref<8192x1024xf32, #tpu.memory_space<hbm>>
    tpu.enqueue_indirect_dma source(%dma_start3A_38 : memref<8192x1024xf32, #tpu.memory_space<hbm>>) target(%arg6 : memref<8x1024xf32, #tpu.memory_space<vmem>>) offsets(%dma_start3A_35 : memref<8xi32, #tpu.memory_space<vmem>>) semaphore(%arg21 : memref<!tpu.dma_semaphore, #tpu.memory_space<semaphore_mem>>)
    %dma_start3A_39 = arith.constant 8 : i32
    %dma_start3A_40 = tpu.memref_slice %arg5[%dma_start3A_39] : memref<256xi32, #tpu.memory_space<vmem>> -> memref<8xi32, #tpu.memory_space<vmem>>
    %dma_start3A_41 = arith.constant 0 : i32
    %dma_start3A_42 = arith.constant 0 : i32
    %dma_start3A_43 = tpu.memref_slice %arg2[%dma_start3A_41, %dma_start3A_42] : memref<8192x1024xf32, #tpu.memory_space<hbm>> -> memref<8192x1024xf32, #tpu.memory_space<hbm>>
    tpu.enqueue_indirect_dma source(%dma_start3A_43 : memref<8192x1024xf32, #tpu.memory_space<hbm>>) target(%arg7 : memref<8x1024xf32, #tpu.memory_space<vmem>>) offsets(%dma_start3A_40 : memref<8xi32, #tpu.memory_space<vmem>>) semaphore(%arg22 : memref<!tpu.dma_semaphore, #tpu.memory_space<semaphore_mem>>)
    %dma_start3A_44 = arith.constant 16 : i32
    %dma_start3A_45 = tpu.memref_slice %arg5[%dma_start3A_44] : memref<256xi32, #tpu.memory_space<vmem>> -> memref<8xi32, #tpu.memory_space<vmem>>
    %dma_start3A_46 = arith.constant 0 : i32
    %dma_start3A_47 = arith.constant 0 : i32
    %dma_start3A_48 = tpu.memref_slice %arg2[%dma_start3A_46, %dma_start3A_47] : memref<8192x1024xf32, #tpu.memory_space<hbm>> -> memref<8192x1024xf32, #tpu.memory_space<hbm>>
    tpu.enqueue_indirect_dma source(%dma_start3A_48 : memref<8192x1024xf32, #tpu.memory_space<hbm>>) target(%arg8 : memref<8x1024xf32, #tpu.memory_space<vmem>>) offsets(%dma_start3A_45 : memref<8xi32, #tpu.memory_space<vmem>>) semaphore(%arg23 : memref<!tpu.dma_semaphore, #tpu.memory_space<semaphore_mem>>)
    %dma_start3A_49 = arith.constant 24 : i32
    %dma_start3A_50 = tpu.memref_slice %arg5[%dma_start3A_49] : memref<256xi32, #tpu.memory_space<vmem>> -> memref<8xi32, #tpu.memory_space<vmem>>
    %dma_start3A_51 = arith.constant 0 : i32
    %dma_start3A_52 = arith.constant 0 : i32
    %dma_start3A_53 = tpu.memref_slice %arg2[%dma_start3A_51, %dma_start3A_52] : memref<8192x1024xf32, #tpu.memory_space<hbm>> -> memref<8192x1024xf32, #tpu.memory_space<hbm>>
    tpu.enqueue_indirect_dma source(%dma_start3A_53 : memref<8192x1024xf32, #tpu.memory_space<hbm>>) target(%arg9 : memref<8x1024xf32, #tpu.memory_space<vmem>>) offsets(%dma_start3A_50 : memref<8xi32, #tpu.memory_space<vmem>>) semaphore(%arg24 : memref<!tpu.dma_semaphore, #tpu.memory_space<semaphore_mem>>)
    %dma_start3A_54 = arith.constant 32 : i32
    %dma_start3A_55 = tpu.memref_slice %arg5[%dma_start3A_54] : memref<256xi32, #tpu.memory_space<vmem>> -> memref<8xi32, #tpu.memory_space<vmem>>
    %dma_start3A_56 = arith.constant 0 : i32
    %dma_start3A_57 = arith.constant 0 : i32
    %dma_start3A_58 = tpu.memref_slice %arg2[%dma_start3A_56, %dma_start3A_57] : memref<8192x1024xf32, #tpu.memory_space<hbm>> -> memref<8192x1024xf32, #tpu.memory_space<hbm>>
    tpu.enqueue_indirect_dma source(%dma_start3A_58 : memref<8192x1024xf32, #tpu.memory_space<hbm>>) target(%arg10 : memref<8x1024xf32, #tpu.memory_space<vmem>>) offsets(%dma_start3A_55 : memref<8xi32, #tpu.memory_space<vmem>>) semaphore(%arg25 : memref<!tpu.dma_semaphore, #tpu.memory_space<semaphore_mem>>)
    %dma_start3A_59 = arith.constant 40 : i32
    %dma_start3A_60 = tpu.memref_slice %arg5[%dma_start3A_59] : memref<256xi32, #tpu.memory_space<vmem>> -> memref<8xi32, #tpu.memory_space<vmem>>
    %dma_start3A_61 = arith.constant 0 : i32
    %dma_start3A_62 = arith.constant 0 : i32
    %dma_start3A_63 = tpu.memref_slice %arg2[%dma_start3A_61, %dma_start3A_62] : memref<8192x1024xf32, #tpu.memory_space<hbm>> -> memref<8192x1024xf32, #tpu.memory_space<hbm>>
    tpu.enqueue_indirect_dma source(%dma_start3A_63 : memref<8192x1024xf32, #tpu.memory_space<hbm>>) target(%arg11 : memref<8x1024xf32, #tpu.memory_space<vmem>>) offsets(%dma_start3A_60 : memref<8xi32, #tpu.memory_space<vmem>>) semaphore(%arg26 : memref<!tpu.dma_semaphore, #tpu.memory_space<semaphore_mem>>)
    %dma_start3A_64 = arith.constant 48 : i32
    %dma_start3A_65 = tpu.memref_slice %arg5[%dma_start3A_64] : memref<256xi32, #tpu.memory_space<vmem>> -> memref<8xi32, #tpu.memory_space<vmem>>
    %dma_start3A_66 = arith.constant 0 : i32
    %dma_start3A_67 = arith.constant 0 : i32
    %dma_start3A_68 = tpu.memref_slice %arg2[%dma_start3A_66, %dma_start3A_67] : memref<8192x1024xf32, #tpu.memory_space<hbm>> -> memref<8192x1024xf32, #tpu.memory_space<hbm>>
    tpu.enqueue_indirect_dma source(%dma_start3A_68 : memref<8192x1024xf32, #tpu.memory_space<hbm>>) target(%arg12 : memref<8x1024xf32, #tpu.memory_space<vmem>>) offsets(%dma_start3A_65 : memref<8xi32, #tpu.memory_space<vmem>>) semaphore(%arg27 : memref<!tpu.dma_semaphore, #tpu.memory_space<semaphore_mem>>)
    %dma_start3A_69 = arith.constant 56 : i32
    %dma_start3A_70 = tpu.memref_slice %arg5[%dma_start3A_69] : memref<256xi32, #tpu.memory_space<vmem>> -> memref<8xi32, #tpu.memory_space<vmem>>
    %dma_start3A_71 = arith.constant 0 : i32
    %dma_start3A_72 = arith.constant 0 : i32
    %dma_start3A_73 = tpu.memref_slice %arg2[%dma_start3A_71, %dma_start3A_72] : memref<8192x1024xf32, #tpu.memory_space<hbm>> -> memref<8192x1024xf32, #tpu.memory_space<hbm>>
    tpu.enqueue_indirect_dma source(%dma_start3A_73 : memref<8192x1024xf32, #tpu.memory_space<hbm>>) target(%arg13 : memref<8x1024xf32, #tpu.memory_space<vmem>>) offsets(%dma_start3A_70 : memref<8xi32, #tpu.memory_space<vmem>>) semaphore(%arg28 : memref<!tpu.dma_semaphore, #tpu.memory_space<semaphore_mem>>)
    %dma_start3A_74 = arith.constant 64 : i32
    %dma_start3A_75 = tpu.memref_slice %arg5[%dma_start3A_74] : memref<256xi32, #tpu.memory_space<vmem>> -> memref<8xi32, #tpu.memory_space<vmem>>
    %dma_start3A_76 = arith.constant 0 : i32
    %dma_start3A_77 = arith.constant 0 : i32
    %dma_start3A_78 = tpu.memref_slice %arg2[%dma_start3A_76, %dma_start3A_77] : memref<8192x1024xf32, #tpu.memory_space<hbm>> -> memref<8192x1024xf32, #tpu.memory_space<hbm>>
    tpu.enqueue_indirect_dma source(%dma_start3A_78 : memref<8192x1024xf32, #tpu.memory_space<hbm>>) target(%arg14 : memref<8x1024xf32, #tpu.memory_space<vmem>>) offsets(%dma_start3A_75 : memref<8xi32, #tpu.memory_space<vmem>>) semaphore(%arg29 : memref<!tpu.dma_semaphore, #tpu.memory_space<semaphore_mem>>)
    %dma_start3A_79 = arith.constant 72 : i32
    %dma_start3A_80 = tpu.memref_slice %arg5[%dma_start3A_79] : memref<256xi32, #tpu.memory_space<vmem>> -> memref<8xi32, #tpu.memory_space<vmem>>
    %dma_start3A_81 = arith.constant 0 : i32
    %dma_start3A_82 = arith.constant 0 : i32
    %dma_start3A_83 = tpu.memref_slice %arg2[%dma_start3A_81, %dma_start3A_82] : memref<8192x1024xf32, #tpu.memory_space<hbm>> -> memref<8192x1024xf32, #tpu.memory_space<hbm>>
    tpu.enqueue_indirect_dma source(%dma_start3A_83 : memref<8192x1024xf32, #tpu.memory_space<hbm>>) target(%arg15 : memref<8x1024xf32, #tpu.memory_space<vmem>>) offsets(%dma_start3A_80 : memref<8xi32, #tpu.memory_space<vmem>>) semaphore(%arg30 : memref<!tpu.dma_semaphore, #tpu.memory_space<semaphore_mem>>)
    %dma_start3A_84 = arith.constant 80 : i32
    %dma_start3A_85 = tpu.memref_slice %arg5[%dma_start3A_84] : memref<256xi32, #tpu.memory_space<vmem>> -> memref<8xi32, #tpu.memory_space<vmem>>
    %dma_start3A_86 = arith.constant 0 : i32
    %dma_start3A_87 = arith.constant 0 : i32
    %dma_start3A_88 = tpu.memref_slice %arg2[%dma_start3A_86, %dma_start3A_87] : memref<8192x1024xf32, #tpu.memory_space<hbm>> -> memref<8192x1024xf32, #tpu.memory_space<hbm>>
    tpu.enqueue_indirect_dma source(%dma_start3A_88 : memref<8192x1024xf32, #tpu.memory_space<hbm>>) target(%arg16 : memref<8x1024xf32, #tpu.memory_space<vmem>>) offsets(%dma_start3A_85 : memref<8xi32, #tpu.memory_space<vmem>>) semaphore(%arg31 : memref<!tpu.dma_semaphore, #tpu.memory_space<semaphore_mem>>)
    %dma_start3A_89 = arith.constant 88 : i32
    %dma_start3A_90 = tpu.memref_slice %arg5[%dma_start3A_89] : memref<256xi32, #tpu.memory_space<vmem>> -> memref<8xi32, #tpu.memory_space<vmem>>
    %dma_start3A_91 = arith.constant 0 : i32
    %dma_start3A_92 = arith.constant 0 : i32
    %dma_start3A_93 = tpu.memref_slice %arg2[%dma_start3A_91, %dma_start3A_92] : memref<8192x1024xf32, #tpu.memory_space<hbm>> -> memref<8192x1024xf32, #tpu.memory_space<hbm>>
    tpu.enqueue_indirect_dma source(%dma_start3A_93 : memref<8192x1024xf32, #tpu.memory_space<hbm>>) target(%arg17 : memref<8x1024xf32, #tpu.memory_space<vmem>>) offsets(%dma_start3A_90 : memref<8xi32, #tpu.memory_space<vmem>>) semaphore(%arg32 : memref<!tpu.dma_semaphore, #tpu.memory_space<semaphore_mem>>)
    %dma_start3A_94 = arith.constant 96 : i32
    %dma_start3A_95 = tpu.memref_slice %arg5[%dma_start3A_94] : memref<256xi32, #tpu.memory_space<vmem>> -> memref<8xi32, #tpu.memory_space<vmem>>
    %dma_start3A_96 = arith.constant 0 : i32
    %dma_start3A_97 = arith.constant 0 : i32
    %dma_start3A_98 = tpu.memref_slice %arg2[%dma_start3A_96, %dma_start3A_97] : memref<8192x1024xf32, #tpu.memory_space<hbm>> -> memref<8192x1024xf32, #tpu.memory_space<hbm>>
    tpu.enqueue_indirect_dma source(%dma_start3A_98 : memref<8192x1024xf32, #tpu.memory_space<hbm>>) target(%arg18 : memref<8x1024xf32, #tpu.memory_space<vmem>>) offsets(%dma_start3A_95 : memref<8xi32, #tpu.memory_space<vmem>>) semaphore(%arg33 : memref<!tpu.dma_semaphore, #tpu.memory_space<semaphore_mem>>)
    %dma_start3A_99 = arith.constant 104 : i32
    %dma_start3A_100 = tpu.memref_slice %arg5[%dma_start3A_99] : memref<256xi32, #tpu.memory_space<vmem>> -> memref<8xi32, #tpu.memory_space<vmem>>
    %dma_start3A_101 = arith.constant 0 : i32
    %dma_start3A_102 = arith.constant 0 : i32
    %dma_start3A_103 = tpu.memref_slice %arg2[%dma_start3A_101, %dma_start3A_102] : memref<8192x1024xf32, #tpu.memory_space<hbm>> -> memref<8192x1024xf32, #tpu.memory_space<hbm>>
    tpu.enqueue_indirect_dma source(%dma_start3A_103 : memref<8192x1024xf32, #tpu.memory_space<hbm>>) target(%arg19 : memref<8x1024xf32, #tpu.memory_space<vmem>>) offsets(%dma_start3A_100 : memref<8xi32, #tpu.memory_space<vmem>>) semaphore(%arg34 : memref<!tpu.dma_semaphore, #tpu.memory_space<semaphore_mem>>)
    %dma_wait3A = arith.constant 0 : i32
    %dma_wait3A_104 = tpu.memref_slice %arg5[%dma_wait3A] : memref<256xi32, #tpu.memory_space<vmem>> -> memref<8xi32, #tpu.memory_space<vmem>>
    %dma_wait3A_105 = arith.constant 0 : i32
    %dma_wait3A_106 = arith.constant 0 : i32
    %dma_wait3A_107 = tpu.memref_slice %arg2[%dma_wait3A_105, %dma_wait3A_106] : memref<8192x1024xf32, #tpu.memory_space<hbm>> -> memref<8192x1024xf32, #tpu.memory_space<hbm>>
    tpu.wait_indirect_dma semaphore(%arg21 : memref<!tpu.dma_semaphore, #tpu.memory_space<semaphore_mem>>) src(%dma_wait3A_107 : memref<8192x1024xf32, #tpu.memory_space<hbm>>) dst(%arg6 : memref<8x1024xf32, #tpu.memory_space<vmem>>)
    %add3A_108 = arith.constant 0 : i32
    %add3A_109 = arith.addi %mul3A_2, %add3A_108 : i32
    %dma_start3A_110 = arith.constant 0 : i32
    %dma_start3A_111 = tpu.memref_slice %arg4[%add3A_109, %dma_start3A_110] : memref<8192x1024xf32, #tpu.memory_space<hbm>> -> memref<8x1024xf32, #tpu.memory_space<hbm>>
    %dma_start3A_112 = arith.constant 0 : i32
    %dma_start3A_113 = tpu.memref_slice %arg4[%add3A_109, %dma_start3A_112] : memref<8192x1024xf32, #tpu.memory_space<hbm>> -> memref<8x1024xf32, #tpu.memory_space<hbm>>
    tpu.enqueue_dma source(%arg6 : memref<8x1024xf32, #tpu.memory_space<vmem>>) target(%dma_start3A_113 : memref<8x1024xf32, #tpu.memory_space<hbm>>) target_semaphore(%arg36 : memref<!tpu.dma_semaphore, #tpu.memory_space<semaphore_mem>>)
    %dma_start3A_114 = arith.constant 112 : i32
    %dma_start3A_115 = tpu.memref_slice %arg5[%dma_start3A_114] : memref<256xi32, #tpu.memory_space<vmem>> -> memref<8xi32, #tpu.memory_space<vmem>>
    %dma_start3A_116 = arith.constant 0 : i32
    %dma_start3A_117 = arith.constant 0 : i32
    %dma_start3A_118 = tpu.memref_slice %arg2[%dma_start3A_116, %dma_start3A_117] : memref<8192x1024xf32, #tpu.memory_space<hbm>> -> memref<8192x1024xf32, #tpu.memory_space<hbm>>
    tpu.enqueue_indirect_dma source(%dma_start3A_118 : memref<8192x1024xf32, #tpu.memory_space<hbm>>) target(%arg20 : memref<8x1024xf32, #tpu.memory_space<vmem>>) offsets(%dma_start3A_115 : memref<8xi32, #tpu.memory_space<vmem>>) semaphore(%arg35 : memref<!tpu.dma_semaphore, #tpu.memory_space<semaphore_mem>>)
    %dma_wait3A_119 = arith.constant 8 : i32
    %dma_wait3A_120 = tpu.memref_slice %arg5[%dma_wait3A_119] : memref<256xi32, #tpu.memory_space<vmem>> -> memref<8xi32, #tpu.memory_space<vmem>>
    %dma_wait3A_121 = arith.constant 0 : i32
    %dma_wait3A_122 = arith.constant 0 : i32
    %dma_wait3A_123 = tpu.memref_slice %arg2[%dma_wait3A_121, %dma_wait3A_122] : memref<8192x1024xf32, #tpu.memory_space<hbm>> -> memref<8192x1024xf32, #tpu.memory_space<hbm>>
    tpu.wait_indirect_dma semaphore(%arg22 : memref<!tpu.dma_semaphore, #tpu.memory_space<semaphore_mem>>) src(%dma_wait3A_123 : memref<8192x1024xf32, #tpu.memory_space<hbm>>) dst(%arg7 : memref<8x1024xf32, #tpu.memory_space<vmem>>)
    %add3A_124 = arith.constant 8 : i32
    %add3A_125 = arith.addi %mul3A_2, %add3A_124 : i32
    %dma_start3A_126 = arith.constant 0 : i32
    %dma_start3A_127 = tpu.memref_slice %arg4[%add3A_125, %dma_start3A_126] : memref<8192x1024xf32, #tpu.memory_space<hbm>> -> memref<8x1024xf32, #tpu.memory_space<hbm>>
    %dma_start3A_128 = arith.constant 0 : i32
    %dma_start3A_129 = tpu.memref_slice %arg4[%add3A_125, %dma_start3A_128] : memref<8192x1024xf32, #tpu.memory_space<hbm>> -> memref<8x1024xf32, #tpu.memory_space<hbm>>
    tpu.enqueue_dma source(%arg7 : memref<8x1024xf32, #tpu.memory_space<vmem>>) target(%dma_start3A_129 : memref<8x1024xf32, #tpu.memory_space<hbm>>) target_semaphore(%arg37 : memref<!tpu.dma_semaphore, #tpu.memory_space<semaphore_mem>>)
    %dma_wait3A_130 = arith.constant 0 : i32
    %dma_wait3A_131 = tpu.memref_slice %arg4[%add3A_109, %dma_wait3A_130] : memref<8192x1024xf32, #tpu.memory_space<hbm>> -> memref<8x1024xf32, #tpu.memory_space<hbm>>
    %dma_wait3A_132 = arith.constant 0 : i32
    %dma_wait3A_133 = tpu.memref_slice %arg4[%add3A_109, %dma_wait3A_132] : memref<8192x1024xf32, #tpu.memory_space<hbm>> -> memref<8x1024xf32, #tpu.memory_space<hbm>>
    tpu.wait_dma2 semaphore(%arg36 : memref<!tpu.dma_semaphore, #tpu.memory_space<semaphore_mem>>) src(%arg6 : memref<8x1024xf32, #tpu.memory_space<vmem>>) dst(%dma_wait3A_133 : memref<8x1024xf32, #tpu.memory_space<hbm>>)
    %dma_start3A_134 = arith.constant 120 : i32
    %dma_start3A_135 = tpu.memref_slice %arg5[%dma_start3A_134] : memref<256xi32, #tpu.memory_space<vmem>> -> memref<8xi32, #tpu.memory_space<vmem>>
    %dma_start3A_136 = arith.constant 0 : i32
    %dma_start3A_137 = arith.constant 0 : i32
    %dma_start3A_138 = tpu.memref_slice %arg2[%dma_start3A_136, %dma_start3A_137] : memref<8192x1024xf32, #tpu.memory_space<hbm>> -> memref<8192x1024xf32, #tpu.memory_space<hbm>>
    tpu.enqueue_indirect_dma source(%dma_start3A_138 : memref<8192x1024xf32, #tpu.memory_space<hbm>>) target(%arg6 : memref<8x1024xf32, #tpu.memory_space<vmem>>) offsets(%dma_start3A_135 : memref<8xi32, #tpu.memory_space<vmem>>) semaphore(%arg21 : memref<!tpu.dma_semaphore, #tpu.memory_space<semaphore_mem>>)
    %dma_wait3A_139 = arith.constant 16 : i32
    %dma_wait3A_140 = tpu.memref_slice %arg5[%dma_wait3A_139] : memref<256xi32, #tpu.memory_space<vmem>> -> memref<8xi32, #tpu.memory_space<vmem>>
    %dma_wait3A_141 = arith.constant 0 : i32
    %dma_wait3A_142 = arith.constant 0 : i32
    %dma_wait3A_143 = tpu.memref_slice %arg2[%dma_wait3A_141, %dma_wait3A_142] : memref<8192x1024xf32, #tpu.memory_space<hbm>> -> memref<8192x1024xf32, #tpu.memory_space<hbm>>
    tpu.wait_indirect_dma semaphore(%arg23 : memref<!tpu.dma_semaphore, #tpu.memory_space<semaphore_mem>>) src(%dma_wait3A_143 : memref<8192x1024xf32, #tpu.memory_space<hbm>>) dst(%arg8 : memref<8x1024xf32, #tpu.memory_space<vmem>>)
    %add3A_144 = arith.constant 16 : i32
    %add3A_145 = arith.addi %mul3A_2, %add3A_144 : i32
    %dma_start3A_146 = arith.constant 0 : i32
    %dma_start3A_147 = tpu.memref_slice %arg4[%add3A_145, %dma_start3A_146] : memref<8192x1024xf32, #tpu.memory_space<hbm>> -> memref<8x1024xf32, #tpu.memory_space<hbm>>
    %dma_start3A_148 = arith.constant 0 : i32
    %dma_start3A_149 = tpu.memref_slice %arg4[%add3A_145, %dma_start3A_148] : memref<8192x1024xf32, #tpu.memory_space<hbm>> -> memref<8x1024xf32, #tpu.memory_space<hbm>>
    tpu.enqueue_dma source(%arg8 : memref<8x1024xf32, #tpu.memory_space<vmem>>) target(%dma_start3A_149 : memref<8x1024xf32, #tpu.memory_space<hbm>>) target_semaphore(%arg38 : memref<!tpu.dma_semaphore, #tpu.memory_space<semaphore_mem>>)
    %dma_wait3A_150 = arith.constant 0 : i32
    %dma_wait3A_151 = tpu.memref_slice %arg4[%add3A_125, %dma_wait3A_150] : memref<8192x1024xf32, #tpu.memory_space<hbm>> -> memref<8x1024xf32, #tpu.memory_space<hbm>>
    %dma_wait3A_152 = arith.constant 0 : i32
    %dma_wait3A_153 = tpu.memref_slice %arg4[%add3A_125, %dma_wait3A_152] : memref<8192x1024xf32, #tpu.memory_space<hbm>> -> memref<8x1024xf32, #tpu.memory_space<hbm>>
    tpu.wait_dma2 semaphore(%arg37 : memref<!tpu.dma_semaphore, #tpu.memory_space<semaphore_mem>>) src(%arg7 : memref<8x1024xf32, #tpu.memory_space<vmem>>) dst(%dma_wait3A_153 : memref<8x1024xf32, #tpu.memory_space<hbm>>)
    %dma_start3A_154 = arith.constant 128 : i32
    %dma_start3A_155 = tpu.memref_slice %arg5[%dma_start3A_154] : memref<256xi32, #tpu.memory_space<vmem>> -> memref<8xi32, #tpu.memory_space<vmem>>
    %dma_start3A_156 = arith.constant 0 : i32
    %dma_start3A_157 = arith.constant 0 : i32
    %dma_start3A_158 = tpu.memref_slice %arg2[%dma_start3A_156, %dma_start3A_157] : memref<8192x1024xf32, #tpu.memory_space<hbm>> -> memref<8192x1024xf32, #tpu.memory_space<hbm>>
    tpu.enqueue_indirect_dma source(%dma_start3A_158 : memref<8192x1024xf32, #tpu.memory_space<hbm>>) target(%arg7 : memref<8x1024xf32, #tpu.memory_space<vmem>>) offsets(%dma_start3A_155 : memref<8xi32, #tpu.memory_space<vmem>>) semaphore(%arg22 : memref<!tpu.dma_semaphore, #tpu.memory_space<semaphore_mem>>)
    %dma_wait3A_159 = arith.constant 24 : i32
    %dma_wait3A_160 = tpu.memref_slice %arg5[%dma_wait3A_159] : memref<256xi32, #tpu.memory_space<vmem>> -> memref<8xi32, #tpu.memory_space<vmem>>
    %dma_wait3A_161 = arith.constant 0 : i32
    %dma_wait3A_162 = arith.constant 0 : i32
    %dma_wait3A_163 = tpu.memref_slice %arg2[%dma_wait3A_161, %dma_wait3A_162] : memref<8192x1024xf32, #tpu.memory_space<hbm>> -> memref<8192x1024xf32, #tpu.memory_space<hbm>>
    tpu.wait_indirect_dma semaphore(%arg24 : memref<!tpu.dma_semaphore, #tpu.memory_space<semaphore_mem>>) src(%dma_wait3A_163 : memref<8192x1024xf32, #tpu.memory_space<hbm>>) dst(%arg9 : memref<8x1024xf32, #tpu.memory_space<vmem>>)
    %add3A_164 = arith.constant 24 : i32
    %add3A_165 = arith.addi %mul3A_2, %add3A_164 : i32
    %dma_start3A_166 = arith.constant 0 : i32
    %dma_start3A_167 = tpu.memref_slice %arg4[%add3A_165, %dma_start3A_166] : memref<8192x1024xf32, #tpu.memory_space<hbm>> -> memref<8x1024xf32, #tpu.memory_space<hbm>>
    %dma_start3A_168 = arith.constant 0 : i32
    %dma_start3A_169 = tpu.memref_slice %arg4[%add3A_165, %dma_start3A_168] : memref<8192x1024xf32, #tpu.memory_space<hbm>> -> memref<8x1024xf32, #tpu.memory_space<hbm>>
    tpu.enqueue_dma source(%arg9 : memref<8x1024xf32, #tpu.memory_space<vmem>>) target(%dma_start3A_169 : memref<8x1024xf32, #tpu.memory_space<hbm>>) target_semaphore(%arg39 : memref<!tpu.dma_semaphore, #tpu.memory_space<semaphore_mem>>)
    %dma_wait3A_170 = arith.constant 0 : i32
    %dma_wait3A_171 = tpu.memref_slice %arg4[%add3A_145, %dma_wait3A_170] : memref<8192x1024xf32, #tpu.memory_space<hbm>> -> memref<8x1024xf32, #tpu.memory_space<hbm>>
    %dma_wait3A_172 = arith.constant 0 : i32
    %dma_wait3A_173 = tpu.memref_slice %arg4[%add3A_145, %dma_wait3A_172] : memref<8192x1024xf32, #tpu.memory_space<hbm>> -> memref<8x1024xf32, #tpu.memory_space<hbm>>
    tpu.wait_dma2 semaphore(%arg38 : memref<!tpu.dma_semaphore, #tpu.memory_space<semaphore_mem>>) src(%arg8 : memref<8x1024xf32, #tpu.memory_space<vmem>>) dst(%dma_wait3A_173 : memref<8x1024xf32, #tpu.memory_space<hbm>>)
    %dma_start3A_174 = arith.constant 136 : i32
    %dma_start3A_175 = tpu.memref_slice %arg5[%dma_start3A_174] : memref<256xi32, #tpu.memory_space<vmem>> -> memref<8xi32, #tpu.memory_space<vmem>>
    %dma_start3A_176 = arith.constant 0 : i32
    %dma_start3A_177 = arith.constant 0 : i32
    %dma_start3A_178 = tpu.memref_slice %arg2[%dma_start3A_176, %dma_start3A_177] : memref<8192x1024xf32, #tpu.memory_space<hbm>> -> memref<8192x1024xf32, #tpu.memory_space<hbm>>
    tpu.enqueue_indirect_dma source(%dma_start3A_178 : memref<8192x1024xf32, #tpu.memory_space<hbm>>) target(%arg8 : memref<8x1024xf32, #tpu.memory_space<vmem>>) offsets(%dma_start3A_175 : memref<8xi32, #tpu.memory_space<vmem>>) semaphore(%arg23 : memref<!tpu.dma_semaphore, #tpu.memory_space<semaphore_mem>>)
    %dma_wait3A_179 = arith.constant 32 : i32
    %dma_wait3A_180 = tpu.memref_slice %arg5[%dma_wait3A_179] : memref<256xi32, #tpu.memory_space<vmem>> -> memref<8xi32, #tpu.memory_space<vmem>>
    %dma_wait3A_181 = arith.constant 0 : i32
    %dma_wait3A_182 = arith.constant 0 : i32
    %dma_wait3A_183 = tpu.memref_slice %arg2[%dma_wait3A_181, %dma_wait3A_182] : memref<8192x1024xf32, #tpu.memory_space<hbm>> -> memref<8192x1024xf32, #tpu.memory_space<hbm>>
    tpu.wait_indirect_dma semaphore(%arg25 : memref<!tpu.dma_semaphore, #tpu.memory_space<semaphore_mem>>) src(%dma_wait3A_183 : memref<8192x1024xf32, #tpu.memory_space<hbm>>) dst(%arg10 : memref<8x1024xf32, #tpu.memory_space<vmem>>)
    %add3A_184 = arith.constant 32 : i32
    %add3A_185 = arith.addi %mul3A_2, %add3A_184 : i32
    %dma_start3A_186 = arith.constant 0 : i32
    %dma_start3A_187 = tpu.memref_slice %arg4[%add3A_185, %dma_start3A_186] : memref<8192x1024xf32, #tpu.memory_space<hbm>> -> memref<8x1024xf32, #tpu.memory_space<hbm>>
    %dma_start3A_188 = arith.constant 0 : i32
    %dma_start3A_189 = tpu.memref_slice %arg4[%add3A_185, %dma_start3A_188] : memref<8192x1024xf32, #tpu.memory_space<hbm>> -> memref<8x1024xf32, #tpu.memory_space<hbm>>
    tpu.enqueue_dma source(%arg10 : memref<8x1024xf32, #tpu.memory_space<vmem>>) target(%dma_start3A_189 : memref<8x1024xf32, #tpu.memory_space<hbm>>) target_semaphore(%arg40 : memref<!tpu.dma_semaphore, #tpu.memory_space<semaphore_mem>>)
    %dma_wait3A_190 = arith.constant 0 : i32
    %dma_wait3A_191 = tpu.memref_slice %arg4[%add3A_165, %dma_wait3A_190] : memref<8192x1024xf32, #tpu.memory_space<hbm>> -> memref<8x1024xf32, #tpu.memory_space<hbm>>
    %dma_wait3A_192 = arith.constant 0 : i32
    %dma_wait3A_193 = tpu.memref_slice %arg4[%add3A_165, %dma_wait3A_192] : memref<8192x1024xf32, #tpu.memory_space<hbm>> -> memref<8x1024xf32, #tpu.memory_space<hbm>>
    tpu.wait_dma2 semaphore(%arg39 : memref<!tpu.dma_semaphore, #tpu.memory_space<semaphore_mem>>) src(%arg9 : memref<8x1024xf32, #tpu.memory_space<vmem>>) dst(%dma_wait3A_193 : memref<8x1024xf32, #tpu.memory_space<hbm>>)
    %dma_start3A_194 = arith.constant 144 : i32
    %dma_start3A_195 = tpu.memref_slice %arg5[%dma_start3A_194] : memref<256xi32, #tpu.memory_space<vmem>> -> memref<8xi32, #tpu.memory_space<vmem>>
    %dma_start3A_196 = arith.constant 0 : i32
    %dma_start3A_197 = arith.constant 0 : i32
    %dma_start3A_198 = tpu.memref_slice %arg2[%dma_start3A_196, %dma_start3A_197] : memref<8192x1024xf32, #tpu.memory_space<hbm>> -> memref<8192x1024xf32, #tpu.memory_space<hbm>>
    tpu.enqueue_indirect_dma source(%dma_start3A_198 : memref<8192x1024xf32, #tpu.memory_space<hbm>>) target(%arg9 : memref<8x1024xf32, #tpu.memory_space<vmem>>) offsets(%dma_start3A_195 : memref<8xi32, #tpu.memory_space<vmem>>) semaphore(%arg24 : memref<!tpu.dma_semaphore, #tpu.memory_space<semaphore_mem>>)
    %dma_wait3A_199 = arith.constant 40 : i32
    %dma_wait3A_200 = tpu.memref_slice %arg5[%dma_wait3A_199] : memref<256xi32, #tpu.memory_space<vmem>> -> memref<8xi32, #tpu.memory_space<vmem>>
    %dma_wait3A_201 = arith.constant 0 : i32
    %dma_wait3A_202 = arith.constant 0 : i32
    %dma_wait3A_203 = tpu.memref_slice %arg2[%dma_wait3A_201, %dma_wait3A_202] : memref<8192x1024xf32, #tpu.memory_space<hbm>> -> memref<8192x1024xf32, #tpu.memory_space<hbm>>
    tpu.wait_indirect_dma semaphore(%arg26 : memref<!tpu.dma_semaphore, #tpu.memory_space<semaphore_mem>>) src(%dma_wait3A_203 : memref<8192x1024xf32, #tpu.memory_space<hbm>>) dst(%arg11 : memref<8x1024xf32, #tpu.memory_space<vmem>>)
    %add3A_204 = arith.constant 40 : i32
    %add3A_205 = arith.addi %mul3A_2, %add3A_204 : i32
    %dma_start3A_206 = arith.constant 0 : i32
    %dma_start3A_207 = tpu.memref_slice %arg4[%add3A_205, %dma_start3A_206] : memref<8192x1024xf32, #tpu.memory_space<hbm>> -> memref<8x1024xf32, #tpu.memory_space<hbm>>
    %dma_start3A_208 = arith.constant 0 : i32
    %dma_start3A_209 = tpu.memref_slice %arg4[%add3A_205, %dma_start3A_208] : memref<8192x1024xf32, #tpu.memory_space<hbm>> -> memref<8x1024xf32, #tpu.memory_space<hbm>>
    tpu.enqueue_dma source(%arg11 : memref<8x1024xf32, #tpu.memory_space<vmem>>) target(%dma_start3A_209 : memref<8x1024xf32, #tpu.memory_space<hbm>>) target_semaphore(%arg41 : memref<!tpu.dma_semaphore, #tpu.memory_space<semaphore_mem>>)
    %dma_wait3A_210 = arith.constant 0 : i32
    %dma_wait3A_211 = tpu.memref_slice %arg4[%add3A_185, %dma_wait3A_210] : memref<8192x1024xf32, #tpu.memory_space<hbm>> -> memref<8x1024xf32, #tpu.memory_space<hbm>>
    %dma_wait3A_212 = arith.constant 0 : i32
    %dma_wait3A_213 = tpu.memref_slice %arg4[%add3A_185, %dma_wait3A_212] : memref<8192x1024xf32, #tpu.memory_space<hbm>> -> memref<8x1024xf32, #tpu.memory_space<hbm>>
    tpu.wait_dma2 semaphore(%arg40 : memref<!tpu.dma_semaphore, #tpu.memory_space<semaphore_mem>>) src(%arg10 : memref<8x1024xf32, #tpu.memory_space<vmem>>) dst(%dma_wait3A_213 : memref<8x1024xf32, #tpu.memory_space<hbm>>)
    %dma_start3A_214 = arith.constant 152 : i32
    %dma_start3A_215 = tpu.memref_slice %arg5[%dma_start3A_214] : memref<256xi32, #tpu.memory_space<vmem>> -> memref<8xi32, #tpu.memory_space<vmem>>
    %dma_start3A_216 = arith.constant 0 : i32
    %dma_start3A_217 = arith.constant 0 : i32
    %dma_start3A_218 = tpu.memref_slice %arg2[%dma_start3A_216, %dma_start3A_217] : memref<8192x1024xf32, #tpu.memory_space<hbm>> -> memref<8192x1024xf32, #tpu.memory_space<hbm>>
    tpu.enqueue_indirect_dma source(%dma_start3A_218 : memref<8192x1024xf32, #tpu.memory_space<hbm>>) target(%arg10 : memref<8x1024xf32, #tpu.memory_space<vmem>>) offsets(%dma_start3A_215 : memref<8xi32, #tpu.memory_space<vmem>>) semaphore(%arg25 : memref<!tpu.dma_semaphore, #tpu.memory_space<semaphore_mem>>)
    %dma_wait3A_219 = arith.constant 48 : i32
    %dma_wait3A_220 = tpu.memref_slice %arg5[%dma_wait3A_219] : memref<256xi32, #tpu.memory_space<vmem>> -> memref<8xi32, #tpu.memory_space<vmem>>
    %dma_wait3A_221 = arith.constant 0 : i32
    %dma_wait3A_222 = arith.constant 0 : i32
    %dma_wait3A_223 = tpu.memref_slice %arg2[%dma_wait3A_221, %dma_wait3A_222] : memref<8192x1024xf32, #tpu.memory_space<hbm>> -> memref<8192x1024xf32, #tpu.memory_space<hbm>>
    tpu.wait_indirect_dma semaphore(%arg27 : memref<!tpu.dma_semaphore, #tpu.memory_space<semaphore_mem>>) src(%dma_wait3A_223 : memref<8192x1024xf32, #tpu.memory_space<hbm>>) dst(%arg12 : memref<8x1024xf32, #tpu.memory_space<vmem>>)
    %add3A_224 = arith.constant 48 : i32
    %add3A_225 = arith.addi %mul3A_2, %add3A_224 : i32
    %dma_start3A_226 = arith.constant 0 : i32
    %dma_start3A_227 = tpu.memref_slice %arg4[%add3A_225, %dma_start3A_226] : memref<8192x1024xf32, #tpu.memory_space<hbm>> -> memref<8x1024xf32, #tpu.memory_space<hbm>>
    %dma_start3A_228 = arith.constant 0 : i32
    %dma_start3A_229 = tpu.memref_slice %arg4[%add3A_225, %dma_start3A_228] : memref<8192x1024xf32, #tpu.memory_space<hbm>> -> memref<8x1024xf32, #tpu.memory_space<hbm>>
    tpu.enqueue_dma source(%arg12 : memref<8x1024xf32, #tpu.memory_space<vmem>>) target(%dma_start3A_229 : memref<8x1024xf32, #tpu.memory_space<hbm>>) target_semaphore(%arg42 : memref<!tpu.dma_semaphore, #tpu.memory_space<semaphore_mem>>)
    %dma_wait3A_230 = arith.constant 0 : i32
    %dma_wait3A_231 = tpu.memref_slice %arg4[%add3A_205, %dma_wait3A_230] : memref<8192x1024xf32, #tpu.memory_space<hbm>> -> memref<8x1024xf32, #tpu.memory_space<hbm>>
    %dma_wait3A_232 = arith.constant 0 : i32
    %dma_wait3A_233 = tpu.memref_slice %arg4[%add3A_205, %dma_wait3A_232] : memref<8192x1024xf32, #tpu.memory_space<hbm>> -> memref<8x1024xf32, #tpu.memory_space<hbm>>
    tpu.wait_dma2 semaphore(%arg41 : memref<!tpu.dma_semaphore, #tpu.memory_space<semaphore_mem>>) src(%arg11 : memref<8x1024xf32, #tpu.memory_space<vmem>>) dst(%dma_wait3A_233 : memref<8x1024xf32, #tpu.memory_space<hbm>>)
    %dma_start3A_234 = arith.constant 160 : i32
    %dma_start3A_235 = tpu.memref_slice %arg5[%dma_start3A_234] : memref<256xi32, #tpu.memory_space<vmem>> -> memref<8xi32, #tpu.memory_space<vmem>>
    %dma_start3A_236 = arith.constant 0 : i32
    %dma_start3A_237 = arith.constant 0 : i32
    %dma_start3A_238 = tpu.memref_slice %arg2[%dma_start3A_236, %dma_start3A_237] : memref<8192x1024xf32, #tpu.memory_space<hbm>> -> memref<8192x1024xf32, #tpu.memory_space<hbm>>
    tpu.enqueue_indirect_dma source(%dma_start3A_238 : memref<8192x1024xf32, #tpu.memory_space<hbm>>) target(%arg11 : memref<8x1024xf32, #tpu.memory_space<vmem>>) offsets(%dma_start3A_235 : memref<8xi32, #tpu.memory_space<vmem>>) semaphore(%arg26 : memref<!tpu.dma_semaphore, #tpu.memory_space<semaphore_mem>>)
    %dma_wait3A_239 = arith.constant 56 : i32
    %dma_wait3A_240 = tpu.memref_slice %arg5[%dma_wait3A_239] : memref<256xi32, #tpu.memory_space<vmem>> -> memref<8xi32, #tpu.memory_space<vmem>>
    %dma_wait3A_241 = arith.constant 0 : i32
    %dma_wait3A_242 = arith.constant 0 : i32
    %dma_wait3A_243 = tpu.memref_slice %arg2[%dma_wait3A_241, %dma_wait3A_242] : memref<8192x1024xf32, #tpu.memory_space<hbm>> -> memref<8192x1024xf32, #tpu.memory_space<hbm>>
    tpu.wait_indirect_dma semaphore(%arg28 : memref<!tpu.dma_semaphore, #tpu.memory_space<semaphore_mem>>) src(%dma_wait3A_243 : memref<8192x1024xf32, #tpu.memory_space<hbm>>) dst(%arg13 : memref<8x1024xf32, #tpu.memory_space<vmem>>)
    %add3A_244 = arith.constant 56 : i32
    %add3A_245 = arith.addi %mul3A_2, %add3A_244 : i32
    %dma_start3A_246 = arith.constant 0 : i32
    %dma_start3A_247 = tpu.memref_slice %arg4[%add3A_245, %dma_start3A_246] : memref<8192x1024xf32, #tpu.memory_space<hbm>> -> memref<8x1024xf32, #tpu.memory_space<hbm>>
    %dma_start3A_248 = arith.constant 0 : i32
    %dma_start3A_249 = tpu.memref_slice %arg4[%add3A_245, %dma_start3A_248] : memref<8192x1024xf32, #tpu.memory_space<hbm>> -> memref<8x1024xf32, #tpu.memory_space<hbm>>
    tpu.enqueue_dma source(%arg13 : memref<8x1024xf32, #tpu.memory_space<vmem>>) target(%dma_start3A_249 : memref<8x1024xf32, #tpu.memory_space<hbm>>) target_semaphore(%arg43 : memref<!tpu.dma_semaphore, #tpu.memory_space<semaphore_mem>>)
    %dma_wait3A_250 = arith.constant 0 : i32
    %dma_wait3A_251 = tpu.memref_slice %arg4[%add3A_225, %dma_wait3A_250] : memref<8192x1024xf32, #tpu.memory_space<hbm>> -> memref<8x1024xf32, #tpu.memory_space<hbm>>
    %dma_wait3A_252 = arith.constant 0 : i32
    %dma_wait3A_253 = tpu.memref_slice %arg4[%add3A_225, %dma_wait3A_252] : memref<8192x1024xf32, #tpu.memory_space<hbm>> -> memref<8x1024xf32, #tpu.memory_space<hbm>>
    tpu.wait_dma2 semaphore(%arg42 : memref<!tpu.dma_semaphore, #tpu.memory_space<semaphore_mem>>) src(%arg12 : memref<8x1024xf32, #tpu.memory_space<vmem>>) dst(%dma_wait3A_253 : memref<8x1024xf32, #tpu.memory_space<hbm>>)
    %dma_start3A_254 = arith.constant 168 : i32
    %dma_start3A_255 = tpu.memref_slice %arg5[%dma_start3A_254] : memref<256xi32, #tpu.memory_space<vmem>> -> memref<8xi32, #tpu.memory_space<vmem>>
    %dma_start3A_256 = arith.constant 0 : i32
    %dma_start3A_257 = arith.constant 0 : i32
    %dma_start3A_258 = tpu.memref_slice %arg2[%dma_start3A_256, %dma_start3A_257] : memref<8192x1024xf32, #tpu.memory_space<hbm>> -> memref<8192x1024xf32, #tpu.memory_space<hbm>>
    tpu.enqueue_indirect_dma source(%dma_start3A_258 : memref<8192x1024xf32, #tpu.memory_space<hbm>>) target(%arg12 : memref<8x1024xf32, #tpu.memory_space<vmem>>) offsets(%dma_start3A_255 : memref<8xi32, #tpu.memory_space<vmem>>) semaphore(%arg27 : memref<!tpu.dma_semaphore, #tpu.memory_space<semaphore_mem>>)
    %dma_wait3A_259 = arith.constant 64 : i32
    %dma_wait3A_260 = tpu.memref_slice %arg5[%dma_wait3A_259] : memref<256xi32, #tpu.memory_space<vmem>> -> memref<8xi32, #tpu.memory_space<vmem>>
    %dma_wait3A_261 = arith.constant 0 : i32
    %dma_wait3A_262 = arith.constant 0 : i32
    %dma_wait3A_263 = tpu.memref_slice %arg2[%dma_wait3A_261, %dma_wait3A_262] : memref<8192x1024xf32, #tpu.memory_space<hbm>> -> memref<8192x1024xf32, #tpu.memory_space<hbm>>
    tpu.wait_indirect_dma semaphore(%arg29 : memref<!tpu.dma_semaphore, #tpu.memory_space<semaphore_mem>>) src(%dma_wait3A_263 : memref<8192x1024xf32, #tpu.memory_space<hbm>>) dst(%arg14 : memref<8x1024xf32, #tpu.memory_space<vmem>>)
    %add3A_264 = arith.constant 64 : i32
    %add3A_265 = arith.addi %mul3A_2, %add3A_264 : i32
    %dma_start3A_266 = arith.constant 0 : i32
    %dma_start3A_267 = tpu.memref_slice %arg4[%add3A_265, %dma_start3A_266] : memref<8192x1024xf32, #tpu.memory_space<hbm>> -> memref<8x1024xf32, #tpu.memory_space<hbm>>
    %dma_start3A_268 = arith.constant 0 : i32
    %dma_start3A_269 = tpu.memref_slice %arg4[%add3A_265, %dma_start3A_268] : memref<8192x1024xf32, #tpu.memory_space<hbm>> -> memref<8x1024xf32, #tpu.memory_space<hbm>>
    tpu.enqueue_dma source(%arg14 : memref<8x1024xf32, #tpu.memory_space<vmem>>) target(%dma_start3A_269 : memref<8x1024xf32, #tpu.memory_space<hbm>>) target_semaphore(%arg44 : memref<!tpu.dma_semaphore, #tpu.memory_space<semaphore_mem>>)
    %dma_wait3A_270 = arith.constant 0 : i32
    %dma_wait3A_271 = tpu.memref_slice %arg4[%add3A_245, %dma_wait3A_270] : memref<8192x1024xf32, #tpu.memory_space<hbm>> -> memref<8x1024xf32, #tpu.memory_space<hbm>>
    %dma_wait3A_272 = arith.constant 0 : i32
    %dma_wait3A_273 = tpu.memref_slice %arg4[%add3A_245, %dma_wait3A_272] : memref<8192x1024xf32, #tpu.memory_space<hbm>> -> memref<8x1024xf32, #tpu.memory_space<hbm>>
    tpu.wait_dma2 semaphore(%arg43 : memref<!tpu.dma_semaphore, #tpu.memory_space<semaphore_mem>>) src(%arg13 : memref<8x1024xf32, #tpu.memory_space<vmem>>) dst(%dma_wait3A_273 : memref<8x1024xf32, #tpu.memory_space<hbm>>)
    %dma_start3A_274 = arith.constant 176 : i32
    %dma_start3A_275 = tpu.memref_slice %arg5[%dma_start3A_274] : memref<256xi32, #tpu.memory_space<vmem>> -> memref<8xi32, #tpu.memory_space<vmem>>
    %dma_start3A_276 = arith.constant 0 : i32
    %dma_start3A_277 = arith.constant 0 : i32
    %dma_start3A_278 = tpu.memref_slice %arg2[%dma_start3A_276, %dma_start3A_277] : memref<8192x1024xf32, #tpu.memory_space<hbm>> -> memref<8192x1024xf32, #tpu.memory_space<hbm>>
    tpu.enqueue_indirect_dma source(%dma_start3A_278 : memref<8192x1024xf32, #tpu.memory_space<hbm>>) target(%arg13 : memref<8x1024xf32, #tpu.memory_space<vmem>>) offsets(%dma_start3A_275 : memref<8xi32, #tpu.memory_space<vmem>>) semaphore(%arg28 : memref<!tpu.dma_semaphore, #tpu.memory_space<semaphore_mem>>)
    %dma_wait3A_279 = arith.constant 72 : i32
    %dma_wait3A_280 = tpu.memref_slice %arg5[%dma_wait3A_279] : memref<256xi32, #tpu.memory_space<vmem>> -> memref<8xi32, #tpu.memory_space<vmem>>
    %dma_wait3A_281 = arith.constant 0 : i32
    %dma_wait3A_282 = arith.constant 0 : i32
    %dma_wait3A_283 = tpu.memref_slice %arg2[%dma_wait3A_281, %dma_wait3A_282] : memref<8192x1024xf32, #tpu.memory_space<hbm>> -> memref<8192x1024xf32, #tpu.memory_space<hbm>>
    tpu.wait_indirect_dma semaphore(%arg30 : memref<!tpu.dma_semaphore, #tpu.memory_space<semaphore_mem>>) src(%dma_wait3A_283 : memref<8192x1024xf32, #tpu.memory_space<hbm>>) dst(%arg15 : memref<8x1024xf32, #tpu.memory_space<vmem>>)
    %add3A_284 = arith.constant 72 : i32
    %add3A_285 = arith.addi %mul3A_2, %add3A_284 : i32
    %dma_start3A_286 = arith.constant 0 : i32
    %dma_start3A_287 = tpu.memref_slice %arg4[%add3A_285, %dma_start3A_286] : memref<8192x1024xf32, #tpu.memory_space<hbm>> -> memref<8x1024xf32, #tpu.memory_space<hbm>>
    %dma_start3A_288 = arith.constant 0 : i32
    %dma_start3A_289 = tpu.memref_slice %arg4[%add3A_285, %dma_start3A_288] : memref<8192x1024xf32, #tpu.memory_space<hbm>> -> memref<8x1024xf32, #tpu.memory_space<hbm>>
    tpu.enqueue_dma source(%arg15 : memref<8x1024xf32, #tpu.memory_space<vmem>>) target(%dma_start3A_289 : memref<8x1024xf32, #tpu.memory_space<hbm>>) target_semaphore(%arg45 : memref<!tpu.dma_semaphore, #tpu.memory_space<semaphore_mem>>)
    %dma_wait3A_290 = arith.constant 0 : i32
    %dma_wait3A_291 = tpu.memref_slice %arg4[%add3A_265, %dma_wait3A_290] : memref<8192x1024xf32, #tpu.memory_space<hbm>> -> memref<8x1024xf32, #tpu.memory_space<hbm>>
    %dma_wait3A_292 = arith.constant 0 : i32
    %dma_wait3A_293 = tpu.memref_slice %arg4[%add3A_265, %dma_wait3A_292] : memref<8192x1024xf32, #tpu.memory_space<hbm>> -> memref<8x1024xf32, #tpu.memory_space<hbm>>
    tpu.wait_dma2 semaphore(%arg44 : memref<!tpu.dma_semaphore, #tpu.memory_space<semaphore_mem>>) src(%arg14 : memref<8x1024xf32, #tpu.memory_space<vmem>>) dst(%dma_wait3A_293 : memref<8x1024xf32, #tpu.memory_space<hbm>>)
    %dma_start3A_294 = arith.constant 184 : i32
    %dma_start3A_295 = tpu.memref_slice %arg5[%dma_start3A_294] : memref<256xi32, #tpu.memory_space<vmem>> -> memref<8xi32, #tpu.memory_space<vmem>>
    %dma_start3A_296 = arith.constant 0 : i32
    %dma_start3A_297 = arith.constant 0 : i32
    %dma_start3A_298 = tpu.memref_slice %arg2[%dma_start3A_296, %dma_start3A_297] : memref<8192x1024xf32, #tpu.memory_space<hbm>> -> memref<8192x1024xf32, #tpu.memory_space<hbm>>
    tpu.enqueue_indirect_dma source(%dma_start3A_298 : memref<8192x1024xf32, #tpu.memory_space<hbm>>) target(%arg14 : memref<8x1024xf32, #tpu.memory_space<vmem>>) offsets(%dma_start3A_295 : memref<8xi32, #tpu.memory_space<vmem>>) semaphore(%arg29 : memref<!tpu.dma_semaphore, #tpu.memory_space<semaphore_mem>>)
    %dma_wait3A_299 = arith.constant 80 : i32
    %dma_wait3A_300 = tpu.memref_slice %arg5[%dma_wait3A_299] : memref<256xi32, #tpu.memory_space<vmem>> -> memref<8xi32, #tpu.memory_space<vmem>>
    %dma_wait3A_301 = arith.constant 0 : i32
    %dma_wait3A_302 = arith.constant 0 : i32
    %dma_wait3A_303 = tpu.memref_slice %arg2[%dma_wait3A_301, %dma_wait3A_302] : memref<8192x1024xf32, #tpu.memory_space<hbm>> -> memref<8192x1024xf32, #tpu.memory_space<hbm>>
    tpu.wait_indirect_dma semaphore(%arg31 : memref<!tpu.dma_semaphore, #tpu.memory_space<semaphore_mem>>) src(%dma_wait3A_303 : memref<8192x1024xf32, #tpu.memory_space<hbm>>) dst(%arg16 : memref<8x1024xf32, #tpu.memory_space<vmem>>)
    %add3A_304 = arith.constant 80 : i32
    %add3A_305 = arith.addi %mul3A_2, %add3A_304 : i32
    %dma_start3A_306 = arith.constant 0 : i32
    %dma_start3A_307 = tpu.memref_slice %arg4[%add3A_305, %dma_start3A_306] : memref<8192x1024xf32, #tpu.memory_space<hbm>> -> memref<8x1024xf32, #tpu.memory_space<hbm>>
    %dma_start3A_308 = arith.constant 0 : i32
    %dma_start3A_309 = tpu.memref_slice %arg4[%add3A_305, %dma_start3A_308] : memref<8192x1024xf32, #tpu.memory_space<hbm>> -> memref<8x1024xf32, #tpu.memory_space<hbm>>
    tpu.enqueue_dma source(%arg16 : memref<8x1024xf32, #tpu.memory_space<vmem>>) target(%dma_start3A_309 : memref<8x1024xf32, #tpu.memory_space<hbm>>) target_semaphore(%arg46 : memref<!tpu.dma_semaphore, #tpu.memory_space<semaphore_mem>>)
    %dma_wait3A_310 = arith.constant 0 : i32
    %dma_wait3A_311 = tpu.memref_slice %arg4[%add3A_285, %dma_wait3A_310] : memref<8192x1024xf32, #tpu.memory_space<hbm>> -> memref<8x1024xf32, #tpu.memory_space<hbm>>
    %dma_wait3A_312 = arith.constant 0 : i32
    %dma_wait3A_313 = tpu.memref_slice %arg4[%add3A_285, %dma_wait3A_312] : memref<8192x1024xf32, #tpu.memory_space<hbm>> -> memref<8x1024xf32, #tpu.memory_space<hbm>>
    tpu.wait_dma2 semaphore(%arg45 : memref<!tpu.dma_semaphore, #tpu.memory_space<semaphore_mem>>) src(%arg15 : memref<8x1024xf32, #tpu.memory_space<vmem>>) dst(%dma_wait3A_313 : memref<8x1024xf32, #tpu.memory_space<hbm>>)
    %dma_start3A_314 = arith.constant 192 : i32
    %dma_start3A_315 = tpu.memref_slice %arg5[%dma_start3A_314] : memref<256xi32, #tpu.memory_space<vmem>> -> memref<8xi32, #tpu.memory_space<vmem>>
    %dma_start3A_316 = arith.constant 0 : i32
    %dma_start3A_317 = arith.constant 0 : i32
    %dma_start3A_318 = tpu.memref_slice %arg2[%dma_start3A_316, %dma_start3A_317] : memref<8192x1024xf32, #tpu.memory_space<hbm>> -> memref<8192x1024xf32, #tpu.memory_space<hbm>>
    tpu.enqueue_indirect_dma source(%dma_start3A_318 : memref<8192x1024xf32, #tpu.memory_space<hbm>>) target(%arg15 : memref<8x1024xf32, #tpu.memory_space<vmem>>) offsets(%dma_start3A_315 : memref<8xi32, #tpu.memory_space<vmem>>) semaphore(%arg30 : memref<!tpu.dma_semaphore, #tpu.memory_space<semaphore_mem>>)
    %dma_wait3A_319 = arith.constant 88 : i32
    %dma_wait3A_320 = tpu.memref_slice %arg5[%dma_wait3A_319] : memref<256xi32, #tpu.memory_space<vmem>> -> memref<8xi32, #tpu.memory_space<vmem>>
    %dma_wait3A_321 = arith.constant 0 : i32
    %dma_wait3A_322 = arith.constant 0 : i32
    %dma_wait3A_323 = tpu.memref_slice %arg2[%dma_wait3A_321, %dma_wait3A_322] : memref<8192x1024xf32, #tpu.memory_space<hbm>> -> memref<8192x1024xf32, #tpu.memory_space<hbm>>
    tpu.wait_indirect_dma semaphore(%arg32 : memref<!tpu.dma_semaphore, #tpu.memory_space<semaphore_mem>>) src(%dma_wait3A_323 : memref<8192x1024xf32, #tpu.memory_space<hbm>>) dst(%arg17 : memref<8x1024xf32, #tpu.memory_space<vmem>>)
    %add3A_324 = arith.constant 88 : i32
    %add3A_325 = arith.addi %mul3A_2, %add3A_324 : i32
    %dma_start3A_326 = arith.constant 0 : i32
    %dma_start3A_327 = tpu.memref_slice %arg4[%add3A_325, %dma_start3A_326] : memref<8192x1024xf32, #tpu.memory_space<hbm>> -> memref<8x1024xf32, #tpu.memory_space<hbm>>
    %dma_start3A_328 = arith.constant 0 : i32
    %dma_start3A_329 = tpu.memref_slice %arg4[%add3A_325, %dma_start3A_328] : memref<8192x1024xf32, #tpu.memory_space<hbm>> -> memref<8x1024xf32, #tpu.memory_space<hbm>>
    tpu.enqueue_dma source(%arg17 : memref<8x1024xf32, #tpu.memory_space<vmem>>) target(%dma_start3A_329 : memref<8x1024xf32, #tpu.memory_space<hbm>>) target_semaphore(%arg47 : memref<!tpu.dma_semaphore, #tpu.memory_space<semaphore_mem>>)
    %dma_wait3A_330 = arith.constant 0 : i32
    %dma_wait3A_331 = tpu.memref_slice %arg4[%add3A_305, %dma_wait3A_330] : memref<8192x1024xf32, #tpu.memory_space<hbm>> -> memref<8x1024xf32, #tpu.memory_space<hbm>>
    %dma_wait3A_332 = arith.constant 0 : i32
    %dma_wait3A_333 = tpu.memref_slice %arg4[%add3A_305, %dma_wait3A_332] : memref<8192x1024xf32, #tpu.memory_space<hbm>> -> memref<8x1024xf32, #tpu.memory_space<hbm>>
    tpu.wait_dma2 semaphore(%arg46 : memref<!tpu.dma_semaphore, #tpu.memory_space<semaphore_mem>>) src(%arg16 : memref<8x1024xf32, #tpu.memory_space<vmem>>) dst(%dma_wait3A_333 : memref<8x1024xf32, #tpu.memory_space<hbm>>)
    %dma_start3A_334 = arith.constant 200 : i32
    %dma_start3A_335 = tpu.memref_slice %arg5[%dma_start3A_334] : memref<256xi32, #tpu.memory_space<vmem>> -> memref<8xi32, #tpu.memory_space<vmem>>
    %dma_start3A_336 = arith.constant 0 : i32
    %dma_start3A_337 = arith.constant 0 : i32
    %dma_start3A_338 = tpu.memref_slice %arg2[%dma_start3A_336, %dma_start3A_337] : memref<8192x1024xf32, #tpu.memory_space<hbm>> -> memref<8192x1024xf32, #tpu.memory_space<hbm>>
    tpu.enqueue_indirect_dma source(%dma_start3A_338 : memref<8192x1024xf32, #tpu.memory_space<hbm>>) target(%arg16 : memref<8x1024xf32, #tpu.memory_space<vmem>>) offsets(%dma_start3A_335 : memref<8xi32, #tpu.memory_space<vmem>>) semaphore(%arg31 : memref<!tpu.dma_semaphore, #tpu.memory_space<semaphore_mem>>)
    %dma_wait3A_339 = arith.constant 96 : i32
    %dma_wait3A_340 = tpu.memref_slice %arg5[%dma_wait3A_339] : memref<256xi32, #tpu.memory_space<vmem>> -> memref<8xi32, #tpu.memory_space<vmem>>
    %dma_wait3A_341 = arith.constant 0 : i32
    %dma_wait3A_342 = arith.constant 0 : i32
    %dma_wait3A_343 = tpu.memref_slice %arg2[%dma_wait3A_341, %dma_wait3A_342] : memref<8192x1024xf32, #tpu.memory_space<hbm>> -> memref<8192x1024xf32, #tpu.memory_space<hbm>>
    tpu.wait_indirect_dma semaphore(%arg33 : memref<!tpu.dma_semaphore, #tpu.memory_space<semaphore_mem>>) src(%dma_wait3A_343 : memref<8192x1024xf32, #tpu.memory_space<hbm>>) dst(%arg18 : memref<8x1024xf32, #tpu.memory_space<vmem>>)
    %add3A_344 = arith.constant 96 : i32
    %add3A_345 = arith.addi %mul3A_2, %add3A_344 : i32
    %dma_start3A_346 = arith.constant 0 : i32
    %dma_start3A_347 = tpu.memref_slice %arg4[%add3A_345, %dma_start3A_346] : memref<8192x1024xf32, #tpu.memory_space<hbm>> -> memref<8x1024xf32, #tpu.memory_space<hbm>>
    %dma_start3A_348 = arith.constant 0 : i32
    %dma_start3A_349 = tpu.memref_slice %arg4[%add3A_345, %dma_start3A_348] : memref<8192x1024xf32, #tpu.memory_space<hbm>> -> memref<8x1024xf32, #tpu.memory_space<hbm>>
    tpu.enqueue_dma source(%arg18 : memref<8x1024xf32, #tpu.memory_space<vmem>>) target(%dma_start3A_349 : memref<8x1024xf32, #tpu.memory_space<hbm>>) target_semaphore(%arg48 : memref<!tpu.dma_semaphore, #tpu.memory_space<semaphore_mem>>)
    %dma_wait3A_350 = arith.constant 0 : i32
    %dma_wait3A_351 = tpu.memref_slice %arg4[%add3A_325, %dma_wait3A_350] : memref<8192x1024xf32, #tpu.memory_space<hbm>> -> memref<8x1024xf32, #tpu.memory_space<hbm>>
    %dma_wait3A_352 = arith.constant 0 : i32
    %dma_wait3A_353 = tpu.memref_slice %arg4[%add3A_325, %dma_wait3A_352] : memref<8192x1024xf32, #tpu.memory_space<hbm>> -> memref<8x1024xf32, #tpu.memory_space<hbm>>
    tpu.wait_dma2 semaphore(%arg47 : memref<!tpu.dma_semaphore, #tpu.memory_space<semaphore_mem>>) src(%arg17 : memref<8x1024xf32, #tpu.memory_space<vmem>>) dst(%dma_wait3A_353 : memref<8x1024xf32, #tpu.memory_space<hbm>>)
    %dma_start3A_354 = arith.constant 208 : i32
    %dma_start3A_355 = tpu.memref_slice %arg5[%dma_start3A_354] : memref<256xi32, #tpu.memory_space<vmem>> -> memref<8xi32, #tpu.memory_space<vmem>>
    %dma_start3A_356 = arith.constant 0 : i32
    %dma_start3A_357 = arith.constant 0 : i32
    %dma_start3A_358 = tpu.memref_slice %arg2[%dma_start3A_356, %dma_start3A_357] : memref<8192x1024xf32, #tpu.memory_space<hbm>> -> memref<8192x1024xf32, #tpu.memory_space<hbm>>
    tpu.enqueue_indirect_dma source(%dma_start3A_358 : memref<8192x1024xf32, #tpu.memory_space<hbm>>) target(%arg17 : memref<8x1024xf32, #tpu.memory_space<vmem>>) offsets(%dma_start3A_355 : memref<8xi32, #tpu.memory_space<vmem>>) semaphore(%arg32 : memref<!tpu.dma_semaphore, #tpu.memory_space<semaphore_mem>>)
    %dma_wait3A_359 = arith.constant 104 : i32
    %dma_wait3A_360 = tpu.memref_slice %arg5[%dma_wait3A_359] : memref<256xi32, #tpu.memory_space<vmem>> -> memref<8xi32, #tpu.memory_space<vmem>>
    %dma_wait3A_361 = arith.constant 0 : i32
    %dma_wait3A_362 = arith.constant 0 : i32
    %dma_wait3A_363 = tpu.memref_slice %arg2[%dma_wait3A_361, %dma_wait3A_362] : memref<8192x1024xf32, #tpu.memory_space<hbm>> -> memref<8192x1024xf32, #tpu.memory_space<hbm>>
    tpu.wait_indirect_dma semaphore(%arg34 : memref<!tpu.dma_semaphore, #tpu.memory_space<semaphore_mem>>) src(%dma_wait3A_363 : memref<8192x1024xf32, #tpu.memory_space<hbm>>) dst(%arg19 : memref<8x1024xf32, #tpu.memory_space<vmem>>)
    %add3A_364 = arith.constant 104 : i32
    %add3A_365 = arith.addi %mul3A_2, %add3A_364 : i32
    %dma_start3A_366 = arith.constant 0 : i32
    %dma_start3A_367 = tpu.memref_slice %arg4[%add3A_365, %dma_start3A_366] : memref<8192x1024xf32, #tpu.memory_space<hbm>> -> memref<8x1024xf32, #tpu.memory_space<hbm>>
    %dma_start3A_368 = arith.constant 0 : i32
    %dma_start3A_369 = tpu.memref_slice %arg4[%add3A_365, %dma_start3A_368] : memref<8192x1024xf32, #tpu.memory_space<hbm>> -> memref<8x1024xf32, #tpu.memory_space<hbm>>
    tpu.enqueue_dma source(%arg19 : memref<8x1024xf32, #tpu.memory_space<vmem>>) target(%dma_start3A_369 : memref<8x1024xf32, #tpu.memory_space<hbm>>) target_semaphore(%arg49 : memref<!tpu.dma_semaphore, #tpu.memory_space<semaphore_mem>>)
    %dma_wait3A_370 = arith.constant 0 : i32
    %dma_wait3A_371 = tpu.memref_slice %arg4[%add3A_345, %dma_wait3A_370] : memref<8192x1024xf32, #tpu.memory_space<hbm>> -> memref<8x1024xf32, #tpu.memory_space<hbm>>
    %dma_wait3A_372 = arith.constant 0 : i32
    %dma_wait3A_373 = tpu.memref_slice %arg4[%add3A_345, %dma_wait3A_372] : memref<8192x1024xf32, #tpu.memory_space<hbm>> -> memref<8x1024xf32, #tpu.memory_space<hbm>>
    tpu.wait_dma2 semaphore(%arg48 : memref<!tpu.dma_semaphore, #tpu.memory_space<semaphore_mem>>) src(%arg18 : memref<8x1024xf32, #tpu.memory_space<vmem>>) dst(%dma_wait3A_373 : memref<8x1024xf32, #tpu.memory_space<hbm>>)
    %dma_start3A_374 = arith.constant 216 : i32
    %dma_start3A_375 = tpu.memref_slice %arg5[%dma_start3A_374] : memref<256xi32, #tpu.memory_space<vmem>> -> memref<8xi32, #tpu.memory_space<vmem>>
    %dma_start3A_376 = arith.constant 0 : i32
    %dma_start3A_377 = arith.constant 0 : i32
    %dma_start3A_378 = tpu.memref_slice %arg2[%dma_start3A_376, %dma_start3A_377] : memref<8192x1024xf32, #tpu.memory_space<hbm>> -> memref<8192x1024xf32, #tpu.memory_space<hbm>>
    tpu.enqueue_indirect_dma source(%dma_start3A_378 : memref<8192x1024xf32, #tpu.memory_space<hbm>>) target(%arg18 : memref<8x1024xf32, #tpu.memory_space<vmem>>) offsets(%dma_start3A_375 : memref<8xi32, #tpu.memory_space<vmem>>) semaphore(%arg33 : memref<!tpu.dma_semaphore, #tpu.memory_space<semaphore_mem>>)
    %dma_wait3A_379 = arith.constant 112 : i32
    %dma_wait3A_380 = tpu.memref_slice %arg5[%dma_wait3A_379] : memref<256xi32, #tpu.memory_space<vmem>> -> memref<8xi32, #tpu.memory_space<vmem>>
    %dma_wait3A_381 = arith.constant 0 : i32
    %dma_wait3A_382 = arith.constant 0 : i32
    %dma_wait3A_383 = tpu.memref_slice %arg2[%dma_wait3A_381, %dma_wait3A_382] : memref<8192x1024xf32, #tpu.memory_space<hbm>> -> memref<8192x1024xf32, #tpu.memory_space<hbm>>
    tpu.wait_indirect_dma semaphore(%arg35 : memref<!tpu.dma_semaphore, #tpu.memory_space<semaphore_mem>>) src(%dma_wait3A_383 : memref<8192x1024xf32, #tpu.memory_space<hbm>>) dst(%arg20 : memref<8x1024xf32, #tpu.memory_space<vmem>>)
    %add3A_384 = arith.constant 112 : i32
    %add3A_385 = arith.addi %mul3A_2, %add3A_384 : i32
    %dma_start3A_386 = arith.constant 0 : i32
    %dma_start3A_387 = tpu.memref_slice %arg4[%add3A_385, %dma_start3A_386] : memref<8192x1024xf32, #tpu.memory_space<hbm>> -> memref<8x1024xf32, #tpu.memory_space<hbm>>
    %dma_start3A_388 = arith.constant 0 : i32
    %dma_start3A_389 = tpu.memref_slice %arg4[%add3A_385, %dma_start3A_388] : memref<8192x1024xf32, #tpu.memory_space<hbm>> -> memref<8x1024xf32, #tpu.memory_space<hbm>>
    tpu.enqueue_dma source(%arg20 : memref<8x1024xf32, #tpu.memory_space<vmem>>) target(%dma_start3A_389 : memref<8x1024xf32, #tpu.memory_space<hbm>>) target_semaphore(%arg50 : memref<!tpu.dma_semaphore, #tpu.memory_space<semaphore_mem>>)
    %dma_wait3A_390 = arith.constant 0 : i32
    %dma_wait3A_391 = tpu.memref_slice %arg4[%add3A_365, %dma_wait3A_390] : memref<8192x1024xf32, #tpu.memory_space<hbm>> -> memref<8x1024xf32, #tpu.memory_space<hbm>>
    %dma_wait3A_392 = arith.constant 0 : i32
    %dma_wait3A_393 = tpu.memref_slice %arg4[%add3A_365, %dma_wait3A_392] : memref<8192x1024xf32, #tpu.memory_space<hbm>> -> memref<8x1024xf32, #tpu.memory_space<hbm>>
    tpu.wait_dma2 semaphore(%arg49 : memref<!tpu.dma_semaphore, #tpu.memory_space<semaphore_mem>>) src(%arg19 : memref<8x1024xf32, #tpu.memory_space<vmem>>) dst(%dma_wait3A_393 : memref<8x1024xf32, #tpu.memory_space<hbm>>)
    %dma_start3A_394 = arith.constant 224 : i32
    %dma_start3A_395 = tpu.memref_slice %arg5[%dma_start3A_394] : memref<256xi32, #tpu.memory_space<vmem>> -> memref<8xi32, #tpu.memory_space<vmem>>
    %dma_start3A_396 = arith.constant 0 : i32
    %dma_start3A_397 = arith.constant 0 : i32
    %dma_start3A_398 = tpu.memref_slice %arg2[%dma_start3A_396, %dma_start3A_397] : memref<8192x1024xf32, #tpu.memory_space<hbm>> -> memref<8192x1024xf32, #tpu.memory_space<hbm>>
    tpu.enqueue_indirect_dma source(%dma_start3A_398 : memref<8192x1024xf32, #tpu.memory_space<hbm>>) target(%arg19 : memref<8x1024xf32, #tpu.memory_space<vmem>>) offsets(%dma_start3A_395 : memref<8xi32, #tpu.memory_space<vmem>>) semaphore(%arg34 : memref<!tpu.dma_semaphore, #tpu.memory_space<semaphore_mem>>)
    %dma_wait3A_399 = arith.constant 120 : i32
    %dma_wait3A_400 = tpu.memref_slice %arg5[%dma_wait3A_399] : memref<256xi32, #tpu.memory_space<vmem>> -> memref<8xi32, #tpu.memory_space<vmem>>
    %dma_wait3A_401 = arith.constant 0 : i32
    %dma_wait3A_402 = arith.constant 0 : i32
    %dma_wait3A_403 = tpu.memref_slice %arg2[%dma_wait3A_401, %dma_wait3A_402] : memref<8192x1024xf32, #tpu.memory_space<hbm>> -> memref<8192x1024xf32, #tpu.memory_space<hbm>>
    tpu.wait_indirect_dma semaphore(%arg21 : memref<!tpu.dma_semaphore, #tpu.memory_space<semaphore_mem>>) src(%dma_wait3A_403 : memref<8192x1024xf32, #tpu.memory_space<hbm>>) dst(%arg6 : memref<8x1024xf32, #tpu.memory_space<vmem>>)
    %add3A_404 = arith.constant 120 : i32
    %add3A_405 = arith.addi %mul3A_2, %add3A_404 : i32
    %dma_start3A_406 = arith.constant 0 : i32
    %dma_start3A_407 = tpu.memref_slice %arg4[%add3A_405, %dma_start3A_406] : memref<8192x1024xf32, #tpu.memory_space<hbm>> -> memref<8x1024xf32, #tpu.memory_space<hbm>>
    %dma_start3A_408 = arith.constant 0 : i32
    %dma_start3A_409 = tpu.memref_slice %arg4[%add3A_405, %dma_start3A_408] : memref<8192x1024xf32, #tpu.memory_space<hbm>> -> memref<8x1024xf32, #tpu.memory_space<hbm>>
    tpu.enqueue_dma source(%arg6 : memref<8x1024xf32, #tpu.memory_space<vmem>>) target(%dma_start3A_409 : memref<8x1024xf32, #tpu.memory_space<hbm>>) target_semaphore(%arg36 : memref<!tpu.dma_semaphore, #tpu.memory_space<semaphore_mem>>)
    %dma_wait3A_410 = arith.constant 0 : i32
    %dma_wait3A_411 = tpu.memref_slice %arg4[%add3A_385, %dma_wait3A_410] : memref<8192x1024xf32, #tpu.memory_space<hbm>> -> memref<8x1024xf32, #tpu.memory_space<hbm>>
    %dma_wait3A_412 = arith.constant 0 : i32
    %dma_wait3A_413 = tpu.memref_slice %arg4[%add3A_385, %dma_wait3A_412] : memref<8192x1024xf32, #tpu.memory_space<hbm>> -> memref<8x1024xf32, #tpu.memory_space<hbm>>
    tpu.wait_dma2 semaphore(%arg50 : memref<!tpu.dma_semaphore, #tpu.memory_space<semaphore_mem>>) src(%arg20 : memref<8x1024xf32, #tpu.memory_space<vmem>>) dst(%dma_wait3A_413 : memref<8x1024xf32, #tpu.memory_space<hbm>>)
    %dma_start3A_414 = arith.constant 232 : i32
    %dma_start3A_415 = tpu.memref_slice %arg5[%dma_start3A_414] : memref<256xi32, #tpu.memory_space<vmem>> -> memref<8xi32, #tpu.memory_space<vmem>>
    %dma_start3A_416 = arith.constant 0 : i32
    %dma_start3A_417 = arith.constant 0 : i32
    %dma_start3A_418 = tpu.memref_slice %arg2[%dma_start3A_416, %dma_start3A_417] : memref<8192x1024xf32, #tpu.memory_space<hbm>> -> memref<8192x1024xf32, #tpu.memory_space<hbm>>
    tpu.enqueue_indirect_dma source(%dma_start3A_418 : memref<8192x1024xf32, #tpu.memory_space<hbm>>) target(%arg20 : memref<8x1024xf32, #tpu.memory_space<vmem>>) offsets(%dma_start3A_415 : memref<8xi32, #tpu.memory_space<vmem>>) semaphore(%arg35 : memref<!tpu.dma_semaphore, #tpu.memory_space<semaphore_mem>>)
    %dma_wait3A_419 = arith.constant 128 : i32
    %dma_wait3A_420 = tpu.memref_slice %arg5[%dma_wait3A_419] : memref<256xi32, #tpu.memory_space<vmem>> -> memref<8xi32, #tpu.memory_space<vmem>>
    %dma_wait3A_421 = arith.constant 0 : i32
    %dma_wait3A_422 = arith.constant 0 : i32
    %dma_wait3A_423 = tpu.memref_slice %arg2[%dma_wait3A_421, %dma_wait3A_422] : memref<8192x1024xf32, #tpu.memory_space<hbm>> -> memref<8192x1024xf32, #tpu.memory_space<hbm>>
    tpu.wait_indirect_dma semaphore(%arg22 : memref<!tpu.dma_semaphore, #tpu.memory_space<semaphore_mem>>) src(%dma_wait3A_423 : memref<8192x1024xf32, #tpu.memory_space<hbm>>) dst(%arg7 : memref<8x1024xf32, #tpu.memory_space<vmem>>)
    %add3A_424 = arith.constant 128 : i32
    %add3A_425 = arith.addi %mul3A_2, %add3A_424 : i32
    %dma_start3A_426 = arith.constant 0 : i32
    %dma_start3A_427 = tpu.memref_slice %arg4[%add3A_425, %dma_start3A_426] : memref<8192x1024xf32, #tpu.memory_space<hbm>> -> memref<8x1024xf32, #tpu.memory_space<hbm>>
    %dma_start3A_428 = arith.constant 0 : i32
    %dma_start3A_429 = tpu.memref_slice %arg4[%add3A_425, %dma_start3A_428] : memref<8192x1024xf32, #tpu.memory_space<hbm>> -> memref<8x1024xf32, #tpu.memory_space<hbm>>
    tpu.enqueue_dma source(%arg7 : memref<8x1024xf32, #tpu.memory_space<vmem>>) target(%dma_start3A_429 : memref<8x1024xf32, #tpu.memory_space<hbm>>) target_semaphore(%arg37 : memref<!tpu.dma_semaphore, #tpu.memory_space<semaphore_mem>>)
    %dma_wait3A_430 = arith.constant 0 : i32
    %dma_wait3A_431 = tpu.memref_slice %arg4[%add3A_405, %dma_wait3A_430] : memref<8192x1024xf32, #tpu.memory_space<hbm>> -> memref<8x1024xf32, #tpu.memory_space<hbm>>
    %dma_wait3A_432 = arith.constant 0 : i32
    %dma_wait3A_433 = tpu.memref_slice %arg4[%add3A_405, %dma_wait3A_432] : memref<8192x1024xf32, #tpu.memory_space<hbm>> -> memref<8x1024xf32, #tpu.memory_space<hbm>>
    tpu.wait_dma2 semaphore(%arg36 : memref<!tpu.dma_semaphore, #tpu.memory_space<semaphore_mem>>) src(%arg6 : memref<8x1024xf32, #tpu.memory_space<vmem>>) dst(%dma_wait3A_433 : memref<8x1024xf32, #tpu.memory_space<hbm>>)
    %dma_start3A_434 = arith.constant 240 : i32
    %dma_start3A_435 = tpu.memref_slice %arg5[%dma_start3A_434] : memref<256xi32, #tpu.memory_space<vmem>> -> memref<8xi32, #tpu.memory_space<vmem>>
    %dma_start3A_436 = arith.constant 0 : i32
    %dma_start3A_437 = arith.constant 0 : i32
    %dma_start3A_438 = tpu.memref_slice %arg2[%dma_start3A_436, %dma_start3A_437] : memref<8192x1024xf32, #tpu.memory_space<hbm>> -> memref<8192x1024xf32, #tpu.memory_space<hbm>>
    tpu.enqueue_indirect_dma source(%dma_start3A_438 : memref<8192x1024xf32, #tpu.memory_space<hbm>>) target(%arg6 : memref<8x1024xf32, #tpu.memory_space<vmem>>) offsets(%dma_start3A_435 : memref<8xi32, #tpu.memory_space<vmem>>) semaphore(%arg21 : memref<!tpu.dma_semaphore, #tpu.memory_space<semaphore_mem>>)
    %dma_wait3A_439 = arith.constant 136 : i32
    %dma_wait3A_440 = tpu.memref_slice %arg5[%dma_wait3A_439] : memref<256xi32, #tpu.memory_space<vmem>> -> memref<8xi32, #tpu.memory_space<vmem>>
    %dma_wait3A_441 = arith.constant 0 : i32
    %dma_wait3A_442 = arith.constant 0 : i32
    %dma_wait3A_443 = tpu.memref_slice %arg2[%dma_wait3A_441, %dma_wait3A_442] : memref<8192x1024xf32, #tpu.memory_space<hbm>> -> memref<8192x1024xf32, #tpu.memory_space<hbm>>
    tpu.wait_indirect_dma semaphore(%arg23 : memref<!tpu.dma_semaphore, #tpu.memory_space<semaphore_mem>>) src(%dma_wait3A_443 : memref<8192x1024xf32, #tpu.memory_space<hbm>>) dst(%arg8 : memref<8x1024xf32, #tpu.memory_space<vmem>>)
    %add3A_444 = arith.constant 136 : i32
    %add3A_445 = arith.addi %mul3A_2, %add3A_444 : i32
    %dma_start3A_446 = arith.constant 0 : i32
    %dma_start3A_447 = tpu.memref_slice %arg4[%add3A_445, %dma_start3A_446] : memref<8192x1024xf32, #tpu.memory_space<hbm>> -> memref<8x1024xf32, #tpu.memory_space<hbm>>
    %dma_start3A_448 = arith.constant 0 : i32
    %dma_start3A_449 = tpu.memref_slice %arg4[%add3A_445, %dma_start3A_448] : memref<8192x1024xf32, #tpu.memory_space<hbm>> -> memref<8x1024xf32, #tpu.memory_space<hbm>>
    tpu.enqueue_dma source(%arg8 : memref<8x1024xf32, #tpu.memory_space<vmem>>) target(%dma_start3A_449 : memref<8x1024xf32, #tpu.memory_space<hbm>>) target_semaphore(%arg38 : memref<!tpu.dma_semaphore, #tpu.memory_space<semaphore_mem>>)
    %dma_wait3A_450 = arith.constant 0 : i32
    %dma_wait3A_451 = tpu.memref_slice %arg4[%add3A_425, %dma_wait3A_450] : memref<8192x1024xf32, #tpu.memory_space<hbm>> -> memref<8x1024xf32, #tpu.memory_space<hbm>>
    %dma_wait3A_452 = arith.constant 0 : i32
    %dma_wait3A_453 = tpu.memref_slice %arg4[%add3A_425, %dma_wait3A_452] : memref<8192x1024xf32, #tpu.memory_space<hbm>> -> memref<8x1024xf32, #tpu.memory_space<hbm>>
    tpu.wait_dma2 semaphore(%arg37 : memref<!tpu.dma_semaphore, #tpu.memory_space<semaphore_mem>>) src(%arg7 : memref<8x1024xf32, #tpu.memory_space<vmem>>) dst(%dma_wait3A_453 : memref<8x1024xf32, #tpu.memory_space<hbm>>)
    %dma_start3A_454 = arith.constant 248 : i32
    %dma_start3A_455 = tpu.memref_slice %arg5[%dma_start3A_454] : memref<256xi32, #tpu.memory_space<vmem>> -> memref<8xi32, #tpu.memory_space<vmem>>
    %dma_start3A_456 = arith.constant 0 : i32
    %dma_start3A_457 = arith.constant 0 : i32
    %dma_start3A_458 = tpu.memref_slice %arg2[%dma_start3A_456, %dma_start3A_457] : memref<8192x1024xf32, #tpu.memory_space<hbm>> -> memref<8192x1024xf32, #tpu.memory_space<hbm>>
    tpu.enqueue_indirect_dma source(%dma_start3A_458 : memref<8192x1024xf32, #tpu.memory_space<hbm>>) target(%arg7 : memref<8x1024xf32, #tpu.memory_space<vmem>>) offsets(%dma_start3A_455 : memref<8xi32, #tpu.memory_space<vmem>>) semaphore(%arg22 : memref<!tpu.dma_semaphore, #tpu.memory_space<semaphore_mem>>)
    %dma_wait3A_459 = arith.constant 144 : i32
    %dma_wait3A_460 = tpu.memref_slice %arg5[%dma_wait3A_459] : memref<256xi32, #tpu.memory_space<vmem>> -> memref<8xi32, #tpu.memory_space<vmem>>
    %dma_wait3A_461 = arith.constant 0 : i32
    %dma_wait3A_462 = arith.constant 0 : i32
    %dma_wait3A_463 = tpu.memref_slice %arg2[%dma_wait3A_461, %dma_wait3A_462] : memref<8192x1024xf32, #tpu.memory_space<hbm>> -> memref<8192x1024xf32, #tpu.memory_space<hbm>>
    tpu.wait_indirect_dma semaphore(%arg24 : memref<!tpu.dma_semaphore, #tpu.memory_space<semaphore_mem>>) src(%dma_wait3A_463 : memref<8192x1024xf32, #tpu.memory_space<hbm>>) dst(%arg9 : memref<8x1024xf32, #tpu.memory_space<vmem>>)
    %add3A_464 = arith.constant 144 : i32
    %add3A_465 = arith.addi %mul3A_2, %add3A_464 : i32
    %dma_start3A_466 = arith.constant 0 : i32
    %dma_start3A_467 = tpu.memref_slice %arg4[%add3A_465, %dma_start3A_466] : memref<8192x1024xf32, #tpu.memory_space<hbm>> -> memref<8x1024xf32, #tpu.memory_space<hbm>>
    %dma_start3A_468 = arith.constant 0 : i32
    %dma_start3A_469 = tpu.memref_slice %arg4[%add3A_465, %dma_start3A_468] : memref<8192x1024xf32, #tpu.memory_space<hbm>> -> memref<8x1024xf32, #tpu.memory_space<hbm>>
    tpu.enqueue_dma source(%arg9 : memref<8x1024xf32, #tpu.memory_space<vmem>>) target(%dma_start3A_469 : memref<8x1024xf32, #tpu.memory_space<hbm>>) target_semaphore(%arg39 : memref<!tpu.dma_semaphore, #tpu.memory_space<semaphore_mem>>)
    %dma_wait3A_470 = arith.constant 152 : i32
    %dma_wait3A_471 = tpu.memref_slice %arg5[%dma_wait3A_470] : memref<256xi32, #tpu.memory_space<vmem>> -> memref<8xi32, #tpu.memory_space<vmem>>
    %dma_wait3A_472 = arith.constant 0 : i32
    %dma_wait3A_473 = arith.constant 0 : i32
    %dma_wait3A_474 = tpu.memref_slice %arg2[%dma_wait3A_472, %dma_wait3A_473] : memref<8192x1024xf32, #tpu.memory_space<hbm>> -> memref<8192x1024xf32, #tpu.memory_space<hbm>>
    tpu.wait_indirect_dma semaphore(%arg25 : memref<!tpu.dma_semaphore, #tpu.memory_space<semaphore_mem>>) src(%dma_wait3A_474 : memref<8192x1024xf32, #tpu.memory_space<hbm>>) dst(%arg10 : memref<8x1024xf32, #tpu.memory_space<vmem>>)
    %add3A_475 = arith.constant 152 : i32
    %add3A_476 = arith.addi %mul3A_2, %add3A_475 : i32
    %dma_start3A_477 = arith.constant 0 : i32
    %dma_start3A_478 = tpu.memref_slice %arg4[%add3A_476, %dma_start3A_477] : memref<8192x1024xf32, #tpu.memory_space<hbm>> -> memref<8x1024xf32, #tpu.memory_space<hbm>>
    %dma_start3A_479 = arith.constant 0 : i32
    %dma_start3A_480 = tpu.memref_slice %arg4[%add3A_476, %dma_start3A_479] : memref<8192x1024xf32, #tpu.memory_space<hbm>> -> memref<8x1024xf32, #tpu.memory_space<hbm>>
    tpu.enqueue_dma source(%arg10 : memref<8x1024xf32, #tpu.memory_space<vmem>>) target(%dma_start3A_480 : memref<8x1024xf32, #tpu.memory_space<hbm>>) target_semaphore(%arg40 : memref<!tpu.dma_semaphore, #tpu.memory_space<semaphore_mem>>)
    %dma_wait3A_481 = arith.constant 160 : i32
    %dma_wait3A_482 = tpu.memref_slice %arg5[%dma_wait3A_481] : memref<256xi32, #tpu.memory_space<vmem>> -> memref<8xi32, #tpu.memory_space<vmem>>
    %dma_wait3A_483 = arith.constant 0 : i32
    %dma_wait3A_484 = arith.constant 0 : i32
    %dma_wait3A_485 = tpu.memref_slice %arg2[%dma_wait3A_483, %dma_wait3A_484] : memref<8192x1024xf32, #tpu.memory_space<hbm>> -> memref<8192x1024xf32, #tpu.memory_space<hbm>>
    tpu.wait_indirect_dma semaphore(%arg26 : memref<!tpu.dma_semaphore, #tpu.memory_space<semaphore_mem>>) src(%dma_wait3A_485 : memref<8192x1024xf32, #tpu.memory_space<hbm>>) dst(%arg11 : memref<8x1024xf32, #tpu.memory_space<vmem>>)
    %add3A_486 = arith.constant 160 : i32
    %add3A_487 = arith.addi %mul3A_2, %add3A_486 : i32
    %dma_start3A_488 = arith.constant 0 : i32
    %dma_start3A_489 = tpu.memref_slice %arg4[%add3A_487, %dma_start3A_488] : memref<8192x1024xf32, #tpu.memory_space<hbm>> -> memref<8x1024xf32, #tpu.memory_space<hbm>>
    %dma_start3A_490 = arith.constant 0 : i32
    %dma_start3A_491 = tpu.memref_slice %arg4[%add3A_487, %dma_start3A_490] : memref<8192x1024xf32, #tpu.memory_space<hbm>> -> memref<8x1024xf32, #tpu.memory_space<hbm>>
    tpu.enqueue_dma source(%arg11 : memref<8x1024xf32, #tpu.memory_space<vmem>>) target(%dma_start3A_491 : memref<8x1024xf32, #tpu.memory_space<hbm>>) target_semaphore(%arg41 : memref<!tpu.dma_semaphore, #tpu.memory_space<semaphore_mem>>)
    %dma_wait3A_492 = arith.constant 168 : i32
    %dma_wait3A_493 = tpu.memref_slice %arg5[%dma_wait3A_492] : memref<256xi32, #tpu.memory_space<vmem>> -> memref<8xi32, #tpu.memory_space<vmem>>
    %dma_wait3A_494 = arith.constant 0 : i32
    %dma_wait3A_495 = arith.constant 0 : i32
    %dma_wait3A_496 = tpu.memref_slice %arg2[%dma_wait3A_494, %dma_wait3A_495] : memref<8192x1024xf32, #tpu.memory_space<hbm>> -> memref<8192x1024xf32, #tpu.memory_space<hbm>>
    tpu.wait_indirect_dma semaphore(%arg27 : memref<!tpu.dma_semaphore, #tpu.memory_space<semaphore_mem>>) src(%dma_wait3A_496 : memref<8192x1024xf32, #tpu.memory_space<hbm>>) dst(%arg12 : memref<8x1024xf32, #tpu.memory_space<vmem>>)
    %add3A_497 = arith.constant 168 : i32
    %add3A_498 = arith.addi %mul3A_2, %add3A_497 : i32
    %dma_start3A_499 = arith.constant 0 : i32
    %dma_start3A_500 = tpu.memref_slice %arg4[%add3A_498, %dma_start3A_499] : memref<8192x1024xf32, #tpu.memory_space<hbm>> -> memref<8x1024xf32, #tpu.memory_space<hbm>>
    %dma_start3A_501 = arith.constant 0 : i32
    %dma_start3A_502 = tpu.memref_slice %arg4[%add3A_498, %dma_start3A_501] : memref<8192x1024xf32, #tpu.memory_space<hbm>> -> memref<8x1024xf32, #tpu.memory_space<hbm>>
    tpu.enqueue_dma source(%arg12 : memref<8x1024xf32, #tpu.memory_space<vmem>>) target(%dma_start3A_502 : memref<8x1024xf32, #tpu.memory_space<hbm>>) target_semaphore(%arg42 : memref<!tpu.dma_semaphore, #tpu.memory_space<semaphore_mem>>)
    %dma_wait3A_503 = arith.constant 176 : i32
    %dma_wait3A_504 = tpu.memref_slice %arg5[%dma_wait3A_503] : memref<256xi32, #tpu.memory_space<vmem>> -> memref<8xi32, #tpu.memory_space<vmem>>
    %dma_wait3A_505 = arith.constant 0 : i32
    %dma_wait3A_506 = arith.constant 0 : i32
    %dma_wait3A_507 = tpu.memref_slice %arg2[%dma_wait3A_505, %dma_wait3A_506] : memref<8192x1024xf32, #tpu.memory_space<hbm>> -> memref<8192x1024xf32, #tpu.memory_space<hbm>>
    tpu.wait_indirect_dma semaphore(%arg28 : memref<!tpu.dma_semaphore, #tpu.memory_space<semaphore_mem>>) src(%dma_wait3A_507 : memref<8192x1024xf32, #tpu.memory_space<hbm>>) dst(%arg13 : memref<8x1024xf32, #tpu.memory_space<vmem>>)
    %add3A_508 = arith.constant 176 : i32
    %add3A_509 = arith.addi %mul3A_2, %add3A_508 : i32
    %dma_start3A_510 = arith.constant 0 : i32
    %dma_start3A_511 = tpu.memref_slice %arg4[%add3A_509, %dma_start3A_510] : memref<8192x1024xf32, #tpu.memory_space<hbm>> -> memref<8x1024xf32, #tpu.memory_space<hbm>>
    %dma_start3A_512 = arith.constant 0 : i32
    %dma_start3A_513 = tpu.memref_slice %arg4[%add3A_509, %dma_start3A_512] : memref<8192x1024xf32, #tpu.memory_space<hbm>> -> memref<8x1024xf32, #tpu.memory_space<hbm>>
    tpu.enqueue_dma source(%arg13 : memref<8x1024xf32, #tpu.memory_space<vmem>>) target(%dma_start3A_513 : memref<8x1024xf32, #tpu.memory_space<hbm>>) target_semaphore(%arg43 : memref<!tpu.dma_semaphore, #tpu.memory_space<semaphore_mem>>)
    %dma_wait3A_514 = arith.constant 184 : i32
    %dma_wait3A_515 = tpu.memref_slice %arg5[%dma_wait3A_514] : memref<256xi32, #tpu.memory_space<vmem>> -> memref<8xi32, #tpu.memory_space<vmem>>
    %dma_wait3A_516 = arith.constant 0 : i32
    %dma_wait3A_517 = arith.constant 0 : i32
    %dma_wait3A_518 = tpu.memref_slice %arg2[%dma_wait3A_516, %dma_wait3A_517] : memref<8192x1024xf32, #tpu.memory_space<hbm>> -> memref<8192x1024xf32, #tpu.memory_space<hbm>>
    tpu.wait_indirect_dma semaphore(%arg29 : memref<!tpu.dma_semaphore, #tpu.memory_space<semaphore_mem>>) src(%dma_wait3A_518 : memref<8192x1024xf32, #tpu.memory_space<hbm>>) dst(%arg14 : memref<8x1024xf32, #tpu.memory_space<vmem>>)
    %add3A_519 = arith.constant 184 : i32
    %add3A_520 = arith.addi %mul3A_2, %add3A_519 : i32
    %dma_start3A_521 = arith.constant 0 : i32
    %dma_start3A_522 = tpu.memref_slice %arg4[%add3A_520, %dma_start3A_521] : memref<8192x1024xf32, #tpu.memory_space<hbm>> -> memref<8x1024xf32, #tpu.memory_space<hbm>>
    %dma_start3A_523 = arith.constant 0 : i32
    %dma_start3A_524 = tpu.memref_slice %arg4[%add3A_520, %dma_start3A_523] : memref<8192x1024xf32, #tpu.memory_space<hbm>> -> memref<8x1024xf32, #tpu.memory_space<hbm>>
    tpu.enqueue_dma source(%arg14 : memref<8x1024xf32, #tpu.memory_space<vmem>>) target(%dma_start3A_524 : memref<8x1024xf32, #tpu.memory_space<hbm>>) target_semaphore(%arg44 : memref<!tpu.dma_semaphore, #tpu.memory_space<semaphore_mem>>)
    %dma_wait3A_525 = arith.constant 192 : i32
    %dma_wait3A_526 = tpu.memref_slice %arg5[%dma_wait3A_525] : memref<256xi32, #tpu.memory_space<vmem>> -> memref<8xi32, #tpu.memory_space<vmem>>
    %dma_wait3A_527 = arith.constant 0 : i32
    %dma_wait3A_528 = arith.constant 0 : i32
    %dma_wait3A_529 = tpu.memref_slice %arg2[%dma_wait3A_527, %dma_wait3A_528] : memref<8192x1024xf32, #tpu.memory_space<hbm>> -> memref<8192x1024xf32, #tpu.memory_space<hbm>>
    tpu.wait_indirect_dma semaphore(%arg30 : memref<!tpu.dma_semaphore, #tpu.memory_space<semaphore_mem>>) src(%dma_wait3A_529 : memref<8192x1024xf32, #tpu.memory_space<hbm>>) dst(%arg15 : memref<8x1024xf32, #tpu.memory_space<vmem>>)
    %add3A_530 = arith.constant 192 : i32
    %add3A_531 = arith.addi %mul3A_2, %add3A_530 : i32
    %dma_start3A_532 = arith.constant 0 : i32
    %dma_start3A_533 = tpu.memref_slice %arg4[%add3A_531, %dma_start3A_532] : memref<8192x1024xf32, #tpu.memory_space<hbm>> -> memref<8x1024xf32, #tpu.memory_space<hbm>>
    %dma_start3A_534 = arith.constant 0 : i32
    %dma_start3A_535 = tpu.memref_slice %arg4[%add3A_531, %dma_start3A_534] : memref<8192x1024xf32, #tpu.memory_space<hbm>> -> memref<8x1024xf32, #tpu.memory_space<hbm>>
    tpu.enqueue_dma source(%arg15 : memref<8x1024xf32, #tpu.memory_space<vmem>>) target(%dma_start3A_535 : memref<8x1024xf32, #tpu.memory_space<hbm>>) target_semaphore(%arg45 : memref<!tpu.dma_semaphore, #tpu.memory_space<semaphore_mem>>)
    %dma_wait3A_536 = arith.constant 200 : i32
    %dma_wait3A_537 = tpu.memref_slice %arg5[%dma_wait3A_536] : memref<256xi32, #tpu.memory_space<vmem>> -> memref<8xi32, #tpu.memory_space<vmem>>
    %dma_wait3A_538 = arith.constant 0 : i32
    %dma_wait3A_539 = arith.constant 0 : i32
    %dma_wait3A_540 = tpu.memref_slice %arg2[%dma_wait3A_538, %dma_wait3A_539] : memref<8192x1024xf32, #tpu.memory_space<hbm>> -> memref<8192x1024xf32, #tpu.memory_space<hbm>>
    tpu.wait_indirect_dma semaphore(%arg31 : memref<!tpu.dma_semaphore, #tpu.memory_space<semaphore_mem>>) src(%dma_wait3A_540 : memref<8192x1024xf32, #tpu.memory_space<hbm>>) dst(%arg16 : memref<8x1024xf32, #tpu.memory_space<vmem>>)
    %add3A_541 = arith.constant 200 : i32
    %add3A_542 = arith.addi %mul3A_2, %add3A_541 : i32
    %dma_start3A_543 = arith.constant 0 : i32
    %dma_start3A_544 = tpu.memref_slice %arg4[%add3A_542, %dma_start3A_543] : memref<8192x1024xf32, #tpu.memory_space<hbm>> -> memref<8x1024xf32, #tpu.memory_space<hbm>>
    %dma_start3A_545 = arith.constant 0 : i32
    %dma_start3A_546 = tpu.memref_slice %arg4[%add3A_542, %dma_start3A_545] : memref<8192x1024xf32, #tpu.memory_space<hbm>> -> memref<8x1024xf32, #tpu.memory_space<hbm>>
    tpu.enqueue_dma source(%arg16 : memref<8x1024xf32, #tpu.memory_space<vmem>>) target(%dma_start3A_546 : memref<8x1024xf32, #tpu.memory_space<hbm>>) target_semaphore(%arg46 : memref<!tpu.dma_semaphore, #tpu.memory_space<semaphore_mem>>)
    %dma_wait3A_547 = arith.constant 208 : i32
    %dma_wait3A_548 = tpu.memref_slice %arg5[%dma_wait3A_547] : memref<256xi32, #tpu.memory_space<vmem>> -> memref<8xi32, #tpu.memory_space<vmem>>
    %dma_wait3A_549 = arith.constant 0 : i32
    %dma_wait3A_550 = arith.constant 0 : i32
    %dma_wait3A_551 = tpu.memref_slice %arg2[%dma_wait3A_549, %dma_wait3A_550] : memref<8192x1024xf32, #tpu.memory_space<hbm>> -> memref<8192x1024xf32, #tpu.memory_space<hbm>>
    tpu.wait_indirect_dma semaphore(%arg32 : memref<!tpu.dma_semaphore, #tpu.memory_space<semaphore_mem>>) src(%dma_wait3A_551 : memref<8192x1024xf32, #tpu.memory_space<hbm>>) dst(%arg17 : memref<8x1024xf32, #tpu.memory_space<vmem>>)
    %add3A_552 = arith.constant 208 : i32
    %add3A_553 = arith.addi %mul3A_2, %add3A_552 : i32
    %dma_start3A_554 = arith.constant 0 : i32
    %dma_start3A_555 = tpu.memref_slice %arg4[%add3A_553, %dma_start3A_554] : memref<8192x1024xf32, #tpu.memory_space<hbm>> -> memref<8x1024xf32, #tpu.memory_space<hbm>>
    %dma_start3A_556 = arith.constant 0 : i32
    %dma_start3A_557 = tpu.memref_slice %arg4[%add3A_553, %dma_start3A_556] : memref<8192x1024xf32, #tpu.memory_space<hbm>> -> memref<8x1024xf32, #tpu.memory_space<hbm>>
    tpu.enqueue_dma source(%arg17 : memref<8x1024xf32, #tpu.memory_space<vmem>>) target(%dma_start3A_557 : memref<8x1024xf32, #tpu.memory_space<hbm>>) target_semaphore(%arg47 : memref<!tpu.dma_semaphore, #tpu.memory_space<semaphore_mem>>)
    %dma_wait3A_558 = arith.constant 216 : i32
    %dma_wait3A_559 = tpu.memref_slice %arg5[%dma_wait3A_558] : memref<256xi32, #tpu.memory_space<vmem>> -> memref<8xi32, #tpu.memory_space<vmem>>
    %dma_wait3A_560 = arith.constant 0 : i32
    %dma_wait3A_561 = arith.constant 0 : i32
    %dma_wait3A_562 = tpu.memref_slice %arg2[%dma_wait3A_560, %dma_wait3A_561] : memref<8192x1024xf32, #tpu.memory_space<hbm>> -> memref<8192x1024xf32, #tpu.memory_space<hbm>>
    tpu.wait_indirect_dma semaphore(%arg33 : memref<!tpu.dma_semaphore, #tpu.memory_space<semaphore_mem>>) src(%dma_wait3A_562 : memref<8192x1024xf32, #tpu.memory_space<hbm>>) dst(%arg18 : memref<8x1024xf32, #tpu.memory_space<vmem>>)
    %add3A_563 = arith.constant 216 : i32
    %add3A_564 = arith.addi %mul3A_2, %add3A_563 : i32
    %dma_start3A_565 = arith.constant 0 : i32
    %dma_start3A_566 = tpu.memref_slice %arg4[%add3A_564, %dma_start3A_565] : memref<8192x1024xf32, #tpu.memory_space<hbm>> -> memref<8x1024xf32, #tpu.memory_space<hbm>>
    %dma_start3A_567 = arith.constant 0 : i32
    %dma_start3A_568 = tpu.memref_slice %arg4[%add3A_564, %dma_start3A_567] : memref<8192x1024xf32, #tpu.memory_space<hbm>> -> memref<8x1024xf32, #tpu.memory_space<hbm>>
    tpu.enqueue_dma source(%arg18 : memref<8x1024xf32, #tpu.memory_space<vmem>>) target(%dma_start3A_568 : memref<8x1024xf32, #tpu.memory_space<hbm>>) target_semaphore(%arg48 : memref<!tpu.dma_semaphore, #tpu.memory_space<semaphore_mem>>)
    %dma_wait3A_569 = arith.constant 224 : i32
    %dma_wait3A_570 = tpu.memref_slice %arg5[%dma_wait3A_569] : memref<256xi32, #tpu.memory_space<vmem>> -> memref<8xi32, #tpu.memory_space<vmem>>
    %dma_wait3A_571 = arith.constant 0 : i32
    %dma_wait3A_572 = arith.constant 0 : i32
    %dma_wait3A_573 = tpu.memref_slice %arg2[%dma_wait3A_571, %dma_wait3A_572] : memref<8192x1024xf32, #tpu.memory_space<hbm>> -> memref<8192x1024xf32, #tpu.memory_space<hbm>>
    tpu.wait_indirect_dma semaphore(%arg34 : memref<!tpu.dma_semaphore, #tpu.memory_space<semaphore_mem>>) src(%dma_wait3A_573 : memref<8192x1024xf32, #tpu.memory_space<hbm>>) dst(%arg19 : memref<8x1024xf32, #tpu.memory_space<vmem>>)
    %add3A_574 = arith.constant 224 : i32
    %add3A_575 = arith.addi %mul3A_2, %add3A_574 : i32
    %dma_start3A_576 = arith.constant 0 : i32
    %dma_start3A_577 = tpu.memref_slice %arg4[%add3A_575, %dma_start3A_576] : memref<8192x1024xf32, #tpu.memory_space<hbm>> -> memref<8x1024xf32, #tpu.memory_space<hbm>>
    %dma_start3A_578 = arith.constant 0 : i32
    %dma_start3A_579 = tpu.memref_slice %arg4[%add3A_575, %dma_start3A_578] : memref<8192x1024xf32, #tpu.memory_space<hbm>> -> memref<8x1024xf32, #tpu.memory_space<hbm>>
    tpu.enqueue_dma source(%arg19 : memref<8x1024xf32, #tpu.memory_space<vmem>>) target(%dma_start3A_579 : memref<8x1024xf32, #tpu.memory_space<hbm>>) target_semaphore(%arg49 : memref<!tpu.dma_semaphore, #tpu.memory_space<semaphore_mem>>)
    %dma_wait3A_580 = arith.constant 232 : i32
    %dma_wait3A_581 = tpu.memref_slice %arg5[%dma_wait3A_580] : memref<256xi32, #tpu.memory_space<vmem>> -> memref<8xi32, #tpu.memory_space<vmem>>
    %dma_wait3A_582 = arith.constant 0 : i32
    %dma_wait3A_583 = arith.constant 0 : i32
    %dma_wait3A_584 = tpu.memref_slice %arg2[%dma_wait3A_582, %dma_wait3A_583] : memref<8192x1024xf32, #tpu.memory_space<hbm>> -> memref<8192x1024xf32, #tpu.memory_space<hbm>>
    tpu.wait_indirect_dma semaphore(%arg35 : memref<!tpu.dma_semaphore, #tpu.memory_space<semaphore_mem>>) src(%dma_wait3A_584 : memref<8192x1024xf32, #tpu.memory_space<hbm>>) dst(%arg20 : memref<8x1024xf32, #tpu.memory_space<vmem>>)
    %add3A_585 = arith.constant 232 : i32
    %add3A_586 = arith.addi %mul3A_2, %add3A_585 : i32
    %dma_start3A_587 = arith.constant 0 : i32
    %dma_start3A_588 = tpu.memref_slice %arg4[%add3A_586, %dma_start3A_587] : memref<8192x1024xf32, #tpu.memory_space<hbm>> -> memref<8x1024xf32, #tpu.memory_space<hbm>>
    %dma_start3A_589 = arith.constant 0 : i32
    %dma_start3A_590 = tpu.memref_slice %arg4[%add3A_586, %dma_start3A_589] : memref<8192x1024xf32, #tpu.memory_space<hbm>> -> memref<8x1024xf32, #tpu.memory_space<hbm>>
    tpu.enqueue_dma source(%arg20 : memref<8x1024xf32, #tpu.memory_space<vmem>>) target(%dma_start3A_590 : memref<8x1024xf32, #tpu.memory_space<hbm>>) target_semaphore(%arg50 : memref<!tpu.dma_semaphore, #tpu.memory_space<semaphore_mem>>)
    %dma_wait3A_591 = arith.constant 240 : i32
    %dma_wait3A_592 = tpu.memref_slice %arg5[%dma_wait3A_591] : memref<256xi32, #tpu.memory_space<vmem>> -> memref<8xi32, #tpu.memory_space<vmem>>
    %dma_wait3A_593 = arith.constant 0 : i32
    %dma_wait3A_594 = arith.constant 0 : i32
    %dma_wait3A_595 = tpu.memref_slice %arg2[%dma_wait3A_593, %dma_wait3A_594] : memref<8192x1024xf32, #tpu.memory_space<hbm>> -> memref<8192x1024xf32, #tpu.memory_space<hbm>>
    tpu.wait_indirect_dma semaphore(%arg21 : memref<!tpu.dma_semaphore, #tpu.memory_space<semaphore_mem>>) src(%dma_wait3A_595 : memref<8192x1024xf32, #tpu.memory_space<hbm>>) dst(%arg6 : memref<8x1024xf32, #tpu.memory_space<vmem>>)
    %add3A_596 = arith.constant 240 : i32
    %add3A_597 = arith.addi %mul3A_2, %add3A_596 : i32
    %dma_start3A_598 = arith.constant 0 : i32
    %dma_start3A_599 = tpu.memref_slice %arg4[%add3A_597, %dma_start3A_598] : memref<8192x1024xf32, #tpu.memory_space<hbm>> -> memref<8x1024xf32, #tpu.memory_space<hbm>>
    %dma_start3A_600 = arith.constant 0 : i32
    %dma_start3A_601 = tpu.memref_slice %arg4[%add3A_597, %dma_start3A_600] : memref<8192x1024xf32, #tpu.memory_space<hbm>> -> memref<8x1024xf32, #tpu.memory_space<hbm>>
    tpu.enqueue_dma source(%arg6 : memref<8x1024xf32, #tpu.memory_space<vmem>>) target(%dma_start3A_601 : memref<8x1024xf32, #tpu.memory_space<hbm>>) target_semaphore(%arg36 : memref<!tpu.dma_semaphore, #tpu.memory_space<semaphore_mem>>)
    %dma_wait3A_602 = arith.constant 248 : i32
    %dma_wait3A_603 = tpu.memref_slice %arg5[%dma_wait3A_602] : memref<256xi32, #tpu.memory_space<vmem>> -> memref<8xi32, #tpu.memory_space<vmem>>
    %dma_wait3A_604 = arith.constant 0 : i32
    %dma_wait3A_605 = arith.constant 0 : i32
    %dma_wait3A_606 = tpu.memref_slice %arg2[%dma_wait3A_604, %dma_wait3A_605] : memref<8192x1024xf32, #tpu.memory_space<hbm>> -> memref<8192x1024xf32, #tpu.memory_space<hbm>>
    tpu.wait_indirect_dma semaphore(%arg22 : memref<!tpu.dma_semaphore, #tpu.memory_space<semaphore_mem>>) src(%dma_wait3A_606 : memref<8192x1024xf32, #tpu.memory_space<hbm>>) dst(%arg7 : memref<8x1024xf32, #tpu.memory_space<vmem>>)
    %add3A_607 = arith.constant 248 : i32
    %add3A_608 = arith.addi %mul3A_2, %add3A_607 : i32
    %dma_start3A_609 = arith.constant 0 : i32
    %dma_start3A_610 = tpu.memref_slice %arg4[%add3A_608, %dma_start3A_609] : memref<8192x1024xf32, #tpu.memory_space<hbm>> -> memref<8x1024xf32, #tpu.memory_space<hbm>>
    %dma_start3A_611 = arith.constant 0 : i32
    %dma_start3A_612 = tpu.memref_slice %arg4[%add3A_608, %dma_start3A_611] : memref<8192x1024xf32, #tpu.memory_space<hbm>> -> memref<8x1024xf32, #tpu.memory_space<hbm>>
    tpu.enqueue_dma source(%arg7 : memref<8x1024xf32, #tpu.memory_space<vmem>>) target(%dma_start3A_612 : memref<8x1024xf32, #tpu.memory_space<hbm>>) target_semaphore(%arg37 : memref<!tpu.dma_semaphore, #tpu.memory_space<semaphore_mem>>)
    %dma_wait3A_613 = arith.constant 0 : i32
    %dma_wait3A_614 = tpu.memref_slice %arg4[%add3A_445, %dma_wait3A_613] : memref<8192x1024xf32, #tpu.memory_space<hbm>> -> memref<8x1024xf32, #tpu.memory_space<hbm>>
    %dma_wait3A_615 = arith.constant 0 : i32
    %dma_wait3A_616 = tpu.memref_slice %arg4[%add3A_445, %dma_wait3A_615] : memref<8192x1024xf32, #tpu.memory_space<hbm>> -> memref<8x1024xf32, #tpu.memory_space<hbm>>
    tpu.wait_dma2 semaphore(%arg38 : memref<!tpu.dma_semaphore, #tpu.memory_space<semaphore_mem>>) src(%arg8 : memref<8x1024xf32, #tpu.memory_space<vmem>>) dst(%dma_wait3A_616 : memref<8x1024xf32, #tpu.memory_space<hbm>>)
    %dma_wait3A_617 = arith.constant 0 : i32
    %dma_wait3A_618 = tpu.memref_slice %arg4[%add3A_465, %dma_wait3A_617] : memref<8192x1024xf32, #tpu.memory_space<hbm>> -> memref<8x1024xf32, #tpu.memory_space<hbm>>
    %dma_wait3A_619 = arith.constant 0 : i32
    %dma_wait3A_620 = tpu.memref_slice %arg4[%add3A_465, %dma_wait3A_619] : memref<8192x1024xf32, #tpu.memory_space<hbm>> -> memref<8x1024xf32, #tpu.memory_space<hbm>>
    tpu.wait_dma2 semaphore(%arg39 : memref<!tpu.dma_semaphore, #tpu.memory_space<semaphore_mem>>) src(%arg9 : memref<8x1024xf32, #tpu.memory_space<vmem>>) dst(%dma_wait3A_620 : memref<8x1024xf32, #tpu.memory_space<hbm>>)
    %dma_wait3A_621 = arith.constant 0 : i32
    %dma_wait3A_622 = tpu.memref_slice %arg4[%add3A_476, %dma_wait3A_621] : memref<8192x1024xf32, #tpu.memory_space<hbm>> -> memref<8x1024xf32, #tpu.memory_space<hbm>>
    %dma_wait3A_623 = arith.constant 0 : i32
    %dma_wait3A_624 = tpu.memref_slice %arg4[%add3A_476, %dma_wait3A_623] : memref<8192x1024xf32, #tpu.memory_space<hbm>> -> memref<8x1024xf32, #tpu.memory_space<hbm>>
    tpu.wait_dma2 semaphore(%arg40 : memref<!tpu.dma_semaphore, #tpu.memory_space<semaphore_mem>>) src(%arg10 : memref<8x1024xf32, #tpu.memory_space<vmem>>) dst(%dma_wait3A_624 : memref<8x1024xf32, #tpu.memory_space<hbm>>)
    %dma_wait3A_625 = arith.constant 0 : i32
    %dma_wait3A_626 = tpu.memref_slice %arg4[%add3A_487, %dma_wait3A_625] : memref<8192x1024xf32, #tpu.memory_space<hbm>> -> memref<8x1024xf32, #tpu.memory_space<hbm>>
    %dma_wait3A_627 = arith.constant 0 : i32
    %dma_wait3A_628 = tpu.memref_slice %arg4[%add3A_487, %dma_wait3A_627] : memref<8192x1024xf32, #tpu.memory_space<hbm>> -> memref<8x1024xf32, #tpu.memory_space<hbm>>
    tpu.wait_dma2 semaphore(%arg41 : memref<!tpu.dma_semaphore, #tpu.memory_space<semaphore_mem>>) src(%arg11 : memref<8x1024xf32, #tpu.memory_space<vmem>>) dst(%dma_wait3A_628 : memref<8x1024xf32, #tpu.memory_space<hbm>>)
    %dma_wait3A_629 = arith.constant 0 : i32
    %dma_wait3A_630 = tpu.memref_slice %arg4[%add3A_498, %dma_wait3A_629] : memref<8192x1024xf32, #tpu.memory_space<hbm>> -> memref<8x1024xf32, #tpu.memory_space<hbm>>
    %dma_wait3A_631 = arith.constant 0 : i32
    %dma_wait3A_632 = tpu.memref_slice %arg4[%add3A_498, %dma_wait3A_631] : memref<8192x1024xf32, #tpu.memory_space<hbm>> -> memref<8x1024xf32, #tpu.memory_space<hbm>>
    tpu.wait_dma2 semaphore(%arg42 : memref<!tpu.dma_semaphore, #tpu.memory_space<semaphore_mem>>) src(%arg12 : memref<8x1024xf32, #tpu.memory_space<vmem>>) dst(%dma_wait3A_632 : memref<8x1024xf32, #tpu.memory_space<hbm>>)
    %dma_wait3A_633 = arith.constant 0 : i32
    %dma_wait3A_634 = tpu.memref_slice %arg4[%add3A_509, %dma_wait3A_633] : memref<8192x1024xf32, #tpu.memory_space<hbm>> -> memref<8x1024xf32, #tpu.memory_space<hbm>>
    %dma_wait3A_635 = arith.constant 0 : i32
    %dma_wait3A_636 = tpu.memref_slice %arg4[%add3A_509, %dma_wait3A_635] : memref<8192x1024xf32, #tpu.memory_space<hbm>> -> memref<8x1024xf32, #tpu.memory_space<hbm>>
    tpu.wait_dma2 semaphore(%arg43 : memref<!tpu.dma_semaphore, #tpu.memory_space<semaphore_mem>>) src(%arg13 : memref<8x1024xf32, #tpu.memory_space<vmem>>) dst(%dma_wait3A_636 : memref<8x1024xf32, #tpu.memory_space<hbm>>)
    %dma_wait3A_637 = arith.constant 0 : i32
    %dma_wait3A_638 = tpu.memref_slice %arg4[%add3A_520, %dma_wait3A_637] : memref<8192x1024xf32, #tpu.memory_space<hbm>> -> memref<8x1024xf32, #tpu.memory_space<hbm>>
    %dma_wait3A_639 = arith.constant 0 : i32
    %dma_wait3A_640 = tpu.memref_slice %arg4[%add3A_520, %dma_wait3A_639] : memref<8192x1024xf32, #tpu.memory_space<hbm>> -> memref<8x1024xf32, #tpu.memory_space<hbm>>
    tpu.wait_dma2 semaphore(%arg44 : memref<!tpu.dma_semaphore, #tpu.memory_space<semaphore_mem>>) src(%arg14 : memref<8x1024xf32, #tpu.memory_space<vmem>>) dst(%dma_wait3A_640 : memref<8x1024xf32, #tpu.memory_space<hbm>>)
    %dma_wait3A_641 = arith.constant 0 : i32
    %dma_wait3A_642 = tpu.memref_slice %arg4[%add3A_531, %dma_wait3A_641] : memref<8192x1024xf32, #tpu.memory_space<hbm>> -> memref<8x1024xf32, #tpu.memory_space<hbm>>
    %dma_wait3A_643 = arith.constant 0 : i32
    %dma_wait3A_644 = tpu.memref_slice %arg4[%add3A_531, %dma_wait3A_643] : memref<8192x1024xf32, #tpu.memory_space<hbm>> -> memref<8x1024xf32, #tpu.memory_space<hbm>>
    tpu.wait_dma2 semaphore(%arg45 : memref<!tpu.dma_semaphore, #tpu.memory_space<semaphore_mem>>) src(%arg15 : memref<8x1024xf32, #tpu.memory_space<vmem>>) dst(%dma_wait3A_644 : memref<8x1024xf32, #tpu.memory_space<hbm>>)
    %dma_wait3A_645 = arith.constant 0 : i32
    %dma_wait3A_646 = tpu.memref_slice %arg4[%add3A_542, %dma_wait3A_645] : memref<8192x1024xf32, #tpu.memory_space<hbm>> -> memref<8x1024xf32, #tpu.memory_space<hbm>>
    %dma_wait3A_647 = arith.constant 0 : i32
    %dma_wait3A_648 = tpu.memref_slice %arg4[%add3A_542, %dma_wait3A_647] : memref<8192x1024xf32, #tpu.memory_space<hbm>> -> memref<8x1024xf32, #tpu.memory_space<hbm>>
    tpu.wait_dma2 semaphore(%arg46 : memref<!tpu.dma_semaphore, #tpu.memory_space<semaphore_mem>>) src(%arg16 : memref<8x1024xf32, #tpu.memory_space<vmem>>) dst(%dma_wait3A_648 : memref<8x1024xf32, #tpu.memory_space<hbm>>)
    %dma_wait3A_649 = arith.constant 0 : i32
    %dma_wait3A_650 = tpu.memref_slice %arg4[%add3A_553, %dma_wait3A_649] : memref<8192x1024xf32, #tpu.memory_space<hbm>> -> memref<8x1024xf32, #tpu.memory_space<hbm>>
    %dma_wait3A_651 = arith.constant 0 : i32
    %dma_wait3A_652 = tpu.memref_slice %arg4[%add3A_553, %dma_wait3A_651] : memref<8192x1024xf32, #tpu.memory_space<hbm>> -> memref<8x1024xf32, #tpu.memory_space<hbm>>
    tpu.wait_dma2 semaphore(%arg47 : memref<!tpu.dma_semaphore, #tpu.memory_space<semaphore_mem>>) src(%arg17 : memref<8x1024xf32, #tpu.memory_space<vmem>>) dst(%dma_wait3A_652 : memref<8x1024xf32, #tpu.memory_space<hbm>>)
    %dma_wait3A_653 = arith.constant 0 : i32
    %dma_wait3A_654 = tpu.memref_slice %arg4[%add3A_564, %dma_wait3A_653] : memref<8192x1024xf32, #tpu.memory_space<hbm>> -> memref<8x1024xf32, #tpu.memory_space<hbm>>
    %dma_wait3A_655 = arith.constant 0 : i32
    %dma_wait3A_656 = tpu.memref_slice %arg4[%add3A_564, %dma_wait3A_655] : memref<8192x1024xf32, #tpu.memory_space<hbm>> -> memref<8x1024xf32, #tpu.memory_space<hbm>>
    tpu.wait_dma2 semaphore(%arg48 : memref<!tpu.dma_semaphore, #tpu.memory_space<semaphore_mem>>) src(%arg18 : memref<8x1024xf32, #tpu.memory_space<vmem>>) dst(%dma_wait3A_656 : memref<8x1024xf32, #tpu.memory_space<hbm>>)
    %dma_wait3A_657 = arith.constant 0 : i32
    %dma_wait3A_658 = tpu.memref_slice %arg4[%add3A_575, %dma_wait3A_657] : memref<8192x1024xf32, #tpu.memory_space<hbm>> -> memref<8x1024xf32, #tpu.memory_space<hbm>>
    %dma_wait3A_659 = arith.constant 0 : i32
    %dma_wait3A_660 = tpu.memref_slice %arg4[%add3A_575, %dma_wait3A_659] : memref<8192x1024xf32, #tpu.memory_space<hbm>> -> memref<8x1024xf32, #tpu.memory_space<hbm>>
    tpu.wait_dma2 semaphore(%arg49 : memref<!tpu.dma_semaphore, #tpu.memory_space<semaphore_mem>>) src(%arg19 : memref<8x1024xf32, #tpu.memory_space<vmem>>) dst(%dma_wait3A_660 : memref<8x1024xf32, #tpu.memory_space<hbm>>)
    %dma_wait3A_661 = arith.constant 0 : i32
    %dma_wait3A_662 = tpu.memref_slice %arg4[%add3A_586, %dma_wait3A_661] : memref<8192x1024xf32, #tpu.memory_space<hbm>> -> memref<8x1024xf32, #tpu.memory_space<hbm>>
    %dma_wait3A_663 = arith.constant 0 : i32
    %dma_wait3A_664 = tpu.memref_slice %arg4[%add3A_586, %dma_wait3A_663] : memref<8192x1024xf32, #tpu.memory_space<hbm>> -> memref<8x1024xf32, #tpu.memory_space<hbm>>
    tpu.wait_dma2 semaphore(%arg50 : memref<!tpu.dma_semaphore, #tpu.memory_space<semaphore_mem>>) src(%arg20 : memref<8x1024xf32, #tpu.memory_space<vmem>>) dst(%dma_wait3A_664 : memref<8x1024xf32, #tpu.memory_space<hbm>>)
    %dma_wait3A_665 = arith.constant 0 : i32
    %dma_wait3A_666 = tpu.memref_slice %arg4[%add3A_597, %dma_wait3A_665] : memref<8192x1024xf32, #tpu.memory_space<hbm>> -> memref<8x1024xf32, #tpu.memory_space<hbm>>
    %dma_wait3A_667 = arith.constant 0 : i32
    %dma_wait3A_668 = tpu.memref_slice %arg4[%add3A_597, %dma_wait3A_667] : memref<8192x1024xf32, #tpu.memory_space<hbm>> -> memref<8x1024xf32, #tpu.memory_space<hbm>>
    tpu.wait_dma2 semaphore(%arg36 : memref<!tpu.dma_semaphore, #tpu.memory_space<semaphore_mem>>) src(%arg6 : memref<8x1024xf32, #tpu.memory_space<vmem>>) dst(%dma_wait3A_668 : memref<8x1024xf32, #tpu.memory_space<hbm>>)
    %dma_wait3A_669 = arith.constant 0 : i32
    %dma_wait3A_670 = tpu.memref_slice %arg4[%add3A_608, %dma_wait3A_669] : memref<8192x1024xf32, #tpu.memory_space<hbm>> -> memref<8x1024xf32, #tpu.memory_space<hbm>>
    %dma_wait3A_671 = arith.constant 0 : i32
    %dma_wait3A_672 = tpu.memref_slice %arg4[%add3A_608, %dma_wait3A_671] : memref<8192x1024xf32, #tpu.memory_space<hbm>> -> memref<8x1024xf32, #tpu.memory_space<hbm>>
    tpu.wait_dma2 semaphore(%arg37 : memref<!tpu.dma_semaphore, #tpu.memory_space<semaphore_mem>>) src(%arg7 : memref<8x1024xf32, #tpu.memory_space<vmem>>) dst(%dma_wait3A_672 : memref<8x1024xf32, #tpu.memory_space<hbm>>)
    return
  }
}

</mosaic_0001>

<sc_bundles>
// kernel: kernel.3.cloned.1.call-start
scs
__scs_entry_jumppad:
0x0: {  	(pc) =	sbr.rel $0x88, $3  }
0x1: {  	(tag) =	ssettag $0x0;
	lr =	simm.s32 $0x1  }
0x2: {  	[smem:$0x3F9F] =	sst lr;
	_ =	strace $0xD0000000  }
0x3: {  	_ = 	snop  }
0x4: {  	_ = 	snop  }
0x5: {  	_ = 	snop  }
0x6: {  	_ = 	snop  }
0x7: {  	_ = 	snop  }
__scs_overlays_trampoline_lowered:
0x8: {  	[smem:$0x3FAE] =	sst s0  }
0x9: {  	[smem:$0x3FAF] =	sst s1  }
0xa: {  	[smem:$0x3FB0] =	sst s2  }
0xb: {  	[smem:$0x3FB1] =	sst s3  }
0xc: {  	[smem:$0x3FB2] =	sst s4  }
0xd: {  	[smem:$0x3FB3] =	sst s5  }
0xe: {  	[smem:$0x3FB4] =	sst s6  }
0xf: {  	[smem:$0x3FB5] =	sst s7  }
0x10: {  	[smem:$0x3FB6] =	sst s8  }
0x11: {  	[smem:$0x3FB7] =	sst s9;
	s0 =	simm.s32 @!p0 $0x0  }
0x12: {  	s1 =	sld [smem:$0x3F9D];
	s0 =	simm.s32 @p0 $0x1  }
0x13: {  	[smem:$0x3FB8] =	sst s0;
	s0 =	simm.s32 @!p1 $0x0  }
0x14: {  	s2 =	sld [smem:$0x3F9C];
	s0 =	simm.s32 @p1 $0x1  }
0x15: {  	[smem:$0x3FB9] =	sst s0;
	s0 =	simm.s32 @!p2 $0x0  }
0x16: {  	s3 =	sld [smem:$0x3FDB];
	s0 =	simm.s32 @p2 $0x1  }
0x17: {  	s4 =	simm.s32 $0x1BF5;
	[smem:$0x3FBB] =	sst s0  }
0x18: {  	s0 =	sld [smem:$0x3F9E];
	_ =	swait.ge [sflag:s4], $0x0  }
0x19: {  	s7 =	sld [smem:$0x3F9F]  }
0x1a: {  	s8 =	sadd.s32 $0xFFFFE003, lr  }
0x1b: {  	s9 =	sadd.s32 $0xFFFFFEF7, lr;
	s5 =	simm.s32 $0xFFFFFFFF;
	p2 =	slt.u32 s8, $0xFFFFF086  }
0x1c: {  	p1 =	slt.u32 s9, $0xF7A;
	s5 =	simm.s32 @!p2 $0x0  }
0x1d: {  	s5 =	simm.s32 @p1 $0x1;
	p0 =	seq.s32 s7, s2  }
0x1e: {  	s7 =	smul.u32 @!p0 $0xF7A, s2;
	p2 =	seq.s32 @!p0 s5, $0x0  }
0x1f: {  	s9 =	smul.u32 $0xF7A, s1;
	s8 =	simm.s32 @!p0 $0x1BF5;
	p2 =	por !p2, p0  }
0x20: {  	[sflag:s8] =	ssyncset.s32 @!p0 $0xFFFFF086;
	s6 =	sadd.s32 @!p0 s3, s7;
	s7 =	simm.s32 @!p0 $0x108  }
0x21: {  	s3 =	sadd.s32 s3, s9;
	s6 =	sadd.s32 @!p0 $0x88, s6;
	s7 =	simm.s32 @p2 $0x1082  }
0x22: {  	[simem:s7], [sflag:s8] =	dma.local @!p0 [hbm:s6], $0xF7A  }
0x23: {  	s9 =	sor.u32 $0xD0000000, s2;
	s6 =	simm.s32 $0x108;
	_ =	swait.ge @!p0 [sflag:s8], $0x0  }
0x24: {  	s3 =	sadd.s32 $0x88, s3;
	s6 =	simm.s32 @!p1 $0x1082;
	[sflag:s4] =	ssyncset.s32 $0xFFFFF086  }
0x25: {  	[simem:s6], [sflag:s4] =	dma.local [hbm:s3], $0xF7A  }
0x26: {  	[smem:$0x3F9F] =	sst s1;
	(tag) =	ssettag s2;
	_ =	strace s9  }
0x27: {  	s1 =	sld [smem:$0x3FAF]  }
0x28: {  	s2 =	sld [smem:$0x3FB0]  }
0x29: {  	s4 =	sld [smem:$0x3FB2]  }
0x2a: {  	p0 =	seq.s32 s5, $0x0;
	s5 =	sld [smem:$0x3FB3]  }
0x2b: {  	s6 =	sld [smem:$0x3FB4]  }
0x2c: {  	s7 =	sld [smem:$0x3FB5]  }
0x2d: {  	s3 =	simm.s32 $0x108;
	s8 =	sld [smem:$0x3FB6]  }
0x2e: {  	s3 =	simm.s32 @!p0 $0x1082;
	s9 =	sld [smem:$0x3FB7]  }
0x2f: {  	lr =	sadd.s32 s0, s3;
	s0 =	sld [smem:$0x3FAE]  }
0x30: {  	s3 =	sld [smem:$0x3FB1]  }
0x31: {  	[smem:$0x3FBA] =	sst s10  }
0x32: {  	s10 =	sld [smem:$0x3FB8];
	_ =	sdelay $0x3  }
0x33: {  	p0 =	seq.s32 s10, $0x1;
	s10 =	sld [smem:$0x3FBA];
	_ =	sdelay $0x3  }
0x34: {  	[smem:$0x3FBA] =	sst s10  }
0x35: {  	s10 =	sld [smem:$0x3FB9];
	_ =	sdelay $0x3  }
0x36: {  	p1 =	seq.s32 s10, $0x1;
	s10 =	sld [smem:$0x3FBA];
	_ =	sdelay $0x3  }
0x37: {  	[smem:$0x3FBA] =	sst s10  }
0x38: {  	s10 =	sld [smem:$0x3FBB]  }
0x39: {  	_ = 	snop;
	(pc) =	sbr.ind lr, $3  }
0x3a: {  	_ = 	snop  }
0x3b: {  	_ = 	snop  }
0x3c: {  	p2 =	seq.s32 s10, $0x1;
	s10 =	sld [smem:$0x3FBA]  }
0x3d: {  	_ =	shalt  }
0x3e: {  	_ =	shalt  }
0x3f: {  	_ =	shalt  }
0x40: {  	_ =	shalt  }
0x41: {  	_ =	shalt  }
0x42: {  	_ =	shalt  }
0x43: {  	_ =	shalt  }
0x44: {  	_ =	shalt  }
0x45: {  	_ =	shalt  }
0x46: {  	_ =	shalt  }
0x47: {  	_ =	shalt  }
0x48: {  	_ =	shalt  }
0x49: {  	_ =	shalt  }
0x4a: {  	_ =	shalt  }
0x4b: {  	_ =	shalt  }
0x4c: {  	_ =	shalt  }
0x4d: {  	_ =	shalt  }
0x4e: {  	_ =	shalt  }
0x4f: {  	_ =	shalt  }
0x50: {  	_ =	shalt  }
0x51: {  	_ =	shalt  }
0x52: {  	_ =	shalt  }
0x53: {  	_ =	shalt  }
0x54: {  	_ =	shalt  }
0x55: {  	_ =	shalt  }
0x56: {  	_ =	shalt  }
0x57: {  	_ =	shalt  }
0x58: {  	_ =	shalt  }
0x59: {  	_ =	shalt  }
0x5a: {  	_ =	shalt  }
0x5b: {  	_ =	shalt  }
0x5c: {  	_ =	shalt  }
0x5d: {  	_ =	shalt  }
0x5e: {  	_ =	shalt  }
0x5f: {  	_ =	shalt  }
0x60: {  	_ =	shalt  }
0x61: {  	_ =	shalt  }
0x62: {  	_ =	shalt  }
0x63: {  	_ =	shalt  }
0x64: {  	_ =	shalt  }
0x65: {  	_ =	shalt  }
0x66: {  	_ =	shalt  }
0x67: {  	_ =	shalt  }
0x68: {  	_ =	shalt  }
0x69: {  	_ =	shalt  }
0x6a: {  	_ =	shalt  }
0x6b: {  	_ =	shalt  }
0x6c: {  	_ =	shalt  }
0x6d: {  	_ =	shalt  }
0x6e: {  	_ =	shalt  }
0x6f: {  	_ =	shalt  }
0x70: {  	_ =	shalt  }
0x71: {  	_ =	shalt  }
0x72: {  	_ =	shalt  }
0x73: {  	_ =	shalt  }
0x74: {  	_ =	shalt  }
0x75: {  	_ =	shalt  }
0x76: {  	_ =	shalt  }
0x77: {  	_ =	shalt  }
0x78: {  	_ =	shalt  }
0x79: {  	_ =	shalt  }
0x7a: {  	_ =	shalt  }
0x7b: {  	_ =	shalt  }
0x7c: {  	_ =	shalt  }
0x7d: {  	_ =	shalt  }
0x7e: {  	_ =	shalt  }
0x7f: {  	_ =	shalt  }
0x80: {  	_ =	shalt  }
0x81: {  	_ =	shalt  }
0x82: {  	_ =	shalt  }
0x83: {  	_ =	shalt  }
0x84: {  	_ =	shalt  }
0x85: {  	_ =	shalt  }
0x86: {  	_ =	shalt  }
0x87: {  	_ =	shalt  }
.Lfunc_end0:
.L_simem_size_0:
called_computation_lowered:
.L_overlay_start_0:
0x88: {  	s2 =	sld [smem:$0x3FD9]  }
0x89: {  	s3 =	sld [smem:$0x3FFE];
	_ =	sdelay $0x1  }
0x8a: {  	s1 =	srdreg.scid  }
0x8b: {  	s0 =	sand.u32 $0x1, s1  }
0x8c: {  	s18 =	sshll.u32 s0, $0xA;
	s2 =	sadd.s32 s3, s2  }
0x8d: {  	s2 =	sadd.s32 s2, s18  }
0x8e: {  	[smem:$0x3FC6] =	sst s2  }
0x8f: {  	_ = 	snop  }
0x90: {  	s2 =	sld [smem:$0x3FC9]  }
0x91: {  	s19 =	sld [smem:$0x3FC8]  }
0x92: {  	s4 =	sld [smem:$0x3FD0];
	(tm) =	ssettm $0x1  }
0x93: {  	s5 =	sld [smem:$0x3FFB];
	_ =	sdelay $0x3  }
0x94: {  	_ =	strace s5  }
0x95: {  	s5 =	sld [smem:$0x3FFC];
	_ =	sdelay $0x3  }
0x96: {  	_ =	strace s5  }
0x97: {  	s5 =	sld [smem:$0x3FFD];
	_ =	sdelay $0x3  }
0x98: {  	_ =	strace s5  }
0x99: {  	_ =	strace $0x8FFFFFFF  }
0x9a: {  	s20 =	sld [smem:$0x3FDB];
	_ =	sdelay $0x1  }
0x9b: {  	s6 =	simm.s32 $_scs_section_size  }
0x9c: {  	s7 =	simm.s32 $_size__tile_overlayer_lowered;
	s8 =	simm.s32 $_tile_overlayer_lowered  }
0x9d: {  	s23 =	simm.s32 $0x1BFF;
	s22 =	sshll.u32 s8, $0x1;
	s5 =	sadd.s32 s6, s20  }
0x9e: {  	s9 =	simm.s32 $0x0;
	s21 =	sshll.u32 s7, $0x1;
	s7 =	sadd.s32 s22, s5  }
0x9f: {  	[timem:s9], [sflag:s23] =	dma.local [hbm:s7], s21  }
0xa0: {  	_ =	swait.ge [sflag:s23], s21  }
0xa1: {  	s6 =	ssub.s32 $0x0, s21;
	[sflag:s23] =	ssyncset.done $0x0  }
0xa2: {  	[sflag:s23] =	ssyncadd.s32 s6;
	_ =	sdelay $0x1  }
0xa3: {  	s24 =	simm.s32 $0x1B8B  }
0xa4: {  	_ =	swait.ge [sflag:s24], $0x1  }
0xa5: {  	[sflag:s24] =	ssyncset.done $0x0  }
0xa6: {  	s25 =	simm.s32 $0x1B8E;
	[sflag:s24] =	ssyncadd.s32 $0xFFFFFFFF  }
0xa7: {  	s26 =	simm.s32 $execute0_lowered;
	[smem:$0x3FD2] =	sst s25  }
0xa8: {  	s6 =	sshll.u32 s26, $0x1;
	_ =	strace $0x80000046;
	[dreg:$0x1] =	wrdreg $0xFFFFFFFF  }
0xa9: {  	s28 =	simm.s32 $_size_execute0_lowered;
	s5 =	sadd.s32 s5, s6;
	[dreg:$0x0] =	wrdreg $0x0  }
0xaa: {  	s6 =	sshll.u32 s28, $0x1;
	[dreg:$0x2] =	wrdreg s5  }
0xab: {  	[dreg:$0x3] =	wrdreg s6  }
0xac: {  	[dreg:$0x4] =	wrdreg $0xC0  }
0xad: {  	_ =	task [dreg:s9], $0x5FFFF  }
0xae: {  	[dreg:$0x1] =	wrdreg $0xFFFFFFFF  }
0xaf: {  	[dreg:$0x0] =	wrdreg $0x60  }
0xb0: {  	[dreg:$0x2] =	wrdreg s19  }
0xb1: {  	[dreg:$0x3] =	wrdreg s2  }
0xb2: {  	[dreg:$0x4] =	wrdreg s4  }
0xb3: {  	[dreg:$0x5] =	wrdreg $0x9  }
0xb4: {  	_ =	task.clear_ibuf [dreg:s9], $0x6FFFF;
	_ =	strace $0x90000046  }
0xb5: {  	s29 =	simm.s32 $0x9;
	_ =	strace $0x80000048  }
0xb6: {  	_ =	swait.ge [sflag:s29], $0x1  }
0xb7: {  	[sflag:s29] =	ssyncadd.s32 $0xFFFFFFFF  }
0xb8: {  	_ =	strace $0x90000048  }
0xb9: {  	_ =	sfence  }
0xba: {  	s30 =	sld [smem:$0x0];
	_ =	sdelay $0x2  }
0xbb: {  	s31 =	sshll.u32 s1, $0xD;
	s1 =	sshrl.u32 s1, $0x2  }
0xbc: {  	s3 =	sand.u32 $0x4000, s31;
	s1 =	sadd.s32 s1, s30  }
0xbd: {  	s0 =	sor.u32 s3, s0;
	s1 =	sshll.u32 s1, $0x11  }
0xbe: {  	s0 =	sor.u32 s1, s0  }
0xbf: {  	s0 =	sadd.s32 $0x8F2B, s0  }
0xc0: {  	[sflag:s0] =	ssyncadd.remote.s32 $0x1  }
0xc1: {  	_ =	sfence.sel $0xFFFF  }
0xc2: {  	[dreg:$0x0] =	wrdreg $0xFFFFFFFF;
	(pc) =	sbr.abs _section_cstart, $3  }
0xc3: {  	[dreg:$0x1] =	wrdreg $0xFFFFFFFF  }
0xc4: {  	_ =	task.clear_ibuf [dreg:s9], $0x2FFFF;
	_ =	strace $0x9FFFFFFF  }
0xc5: {  	(tm) =	ssettm $0x7FFFFFFF  }
tec
execute0_lowered:
.L_overlay_start_1:
0x0: {  	(tag) =	ssettag $0x1  }
0x1: {  	s21 =	rddreg [dreg:$0x0]  }
0x2: {  	s1 =	rddreg [dreg:$0x1]  }
0x3: {  	s4 =	rddreg [dreg:$0x2]  }
0x4: {  	s0 =	srdreg.scid;
	s6 =	stileid.u32  }
0x5: {  	s3 =	simm.s32 $0x0;
	s0 =	sand.u32 $0x1, s0;
	s5 =	sshll.u32 s6, $0x1  }
0x6: {  	s6 =	sshll.u32 s6, $0x2;
	[smem:$0x7FF] =	sst s3;
	s5 =	sor.u32 s0, s5  }
0x7: {  	s6 =	sand.u32 $0x30, s6;
	s7 =	sshll.u32 s5, $0x7;
	s5 =	sshll.u32 s5, $0xF  }
0x8: {  	s1 =	sadd.s32 s1, s6;
	s7 =	sand.u32 $0x380, s7;
	s6 =	sadd.s32 s4, s5  }
0x9: {  	_ =	strace $0x80000047;
	s1 =	sadd.s32 s7, s1;
	[smem:$0x7FA] =	sst s6  }
0xa: {  	s18 =	sadd.s32 $0x400, s6;
	[dreg:$0x4] =	wrdreg s1  }
0xb: {  	s19 =	sadd.s32 $0x800, s6;
	[dreg:$0x5] =	wrdreg s18  }
0xc: {  	s20 =	sadd.s32 $0xC00, s6;
	[dreg:$0x6] =	wrdreg s19  }
0xd: {  	s22 =	sadd.s32 $0x1000, s6;
	[dreg:$0x7] =	wrdreg s20  }
0xe: {  	s23 =	sadd.s32 $0x1400, s6;
	[dreg:$0x8] =	wrdreg s22  }
0xf: {  	s24 =	sadd.s32 $0x1800, s6;
	[dreg:$0x9] =	wrdreg s23  }
0x10: {  	s25 =	sadd.s32 $0x1C00, s6;
	[dreg:$0xa] =	wrdreg s24  }
0x11: {  	s26 =	sadd.s32 $0x2000, s6;
	[dreg:$0xb] =	wrdreg s25  }
0x12: {  	s28 =	sadd.s32 $0x2400, s6;
	[dreg:$0xc] =	wrdreg s26  }
0x13: {  	s30 =	sadd.s32 $0x2800, s6;
	[dreg:$0xd] =	wrdreg s28  }
0x14: {  	s2 =	sadd.s32 $0x2C00, s6;
	[dreg:$0xe] =	wrdreg s30  }
0x15: {  	s4 =	sadd.s32 $0x3000, s6;
	[dreg:$0xf] =	wrdreg s2  }
0x16: {  	s5 =	sadd.s32 $0x3400, s6;
	[dreg:$0x10] =	wrdreg s4  }
0x17: {  	s7 =	sadd.s32 $0x3800, s6;
	[dreg:$0x11] =	wrdreg s5  }
0x18: {  	s8 =	sadd.s32 $0x3C00, s6;
	[dreg:$0x12] =	wrdreg s7  }
0x19: {  	s9 =	sadd.s32 $0x4000, s6;
	[dreg:$0x13] =	wrdreg s8  }
0x1a: {  	s10 =	sadd.s32 $0x4400, s6;
	[dreg:$0x14] =	wrdreg s9  }
0x1b: {  	s11 =	sadd.s32 $0x4800, s6;
	[dreg:$0x15] =	wrdreg s10  }
0x1c: {  	s12 =	sadd.s32 $0x4C00, s6;
	[dreg:$0x16] =	wrdreg s11  }
0x1d: {  	s13 =	sadd.s32 $0x5000, s6;
	[dreg:$0x17] =	wrdreg s12  }
0x1e: {  	s14 =	sadd.s32 $0x5400, s6;
	[dreg:$0x18] =	wrdreg s13  }
0x1f: {  	s15 =	sadd.s32 $0x5800, s6;
	[dreg:$0x19] =	wrdreg s14  }
0x20: {  	s16 =	sadd.s32 $0x5C00, s6;
	[dreg:$0x1a] =	wrdreg s15  }
0x21: {  	s17 =	sadd.s32 $0x6000, s6;
	[dreg:$0x1b] =	wrdreg s16  }
0x22: {  	[dreg:$0x1c] =	wrdreg s17;
	s18 =	sadd.s32 $0x6400, s6  }
0x23: {  	s29 =	simm.s32 $0x1;
	s19 =	sadd.s32 $0x6800, s6;
	[dreg:$0x1d] =	wrdreg s18  }
0x24: {  	s31 =	simm.s32 $0x11;
	s20 =	sadd.s32 $0x6C00, s6;
	[dreg:$0x1e] =	wrdreg s19  }
0x25: {  	s0 =	ssub.s32 $0x2, s0;
	s22 =	sadd.s32 $0x7000, s6;
	[dreg:$0x1f] =	wrdreg s20  }
0x26: {  	s23 =	sshrl.u32 s0, $0x1;
	s24 =	sadd.s32 $0x7400, s6;
	[smem:$0x7F7] =	sst s22  }
0x27: {  	s25 =	sadd.s32 $0x7800, s6;
	s5 =	sadd.s32 $0x100, s21;
	[smem:$0x7F8] =	sst s24  }
0x28: {  	s26 =	sadd.s32 $0x7C00, s6;
	s6 =	sadd.s32 $0x200, s21;
	[smem:$0x7F9] =	sst s25  }
0x29: {  	v0 =	vlaneseq.u32;
	s28 =	simm.s32 $0x80;
	s7 =	sadd.s32 $0x300, s21;
	[smem:$0x7FB] =	sst s26  }
0x2a: {  	v1 =	vshrl.u32 v0, $0x3;
	s30 =	simm.s32 $0x200;
	s0 =	ssub.s32 s0, s23;
	[smem:$0x7FC] =	sst s28  }
0x2b: {  	vm0 =	vmmov $0xffff;
	v0 =	vand.u32 $0x7, v0;
	v1 =	vmul.u32 $0x8, v1;
	s17 =	simm.s32 $0x2;
	[smem:$0x7FD] =	sst s30;
	s0 =	smax.u32 s0, $0x1  }
.LBB2_1:
0x2c: {  	s18 =	sld [smem:$0x7FC]  }
0x2d: {  	s22 =	sld [smem:$0x7FD]  }
0x2e: {  	[smem:$0x7F6] =	sst s0  }
0x2f: {  	s4 =	rddreg [dreg:$0x4];
	s26 =	simm.s32 $0x1F  }
0x30: {  	[tilespmem:s3], [sflag:$0x1F] =	stream.strided.gather [hbm4b:s4+s18], $0x100, s22, s18, $0x38;
	[tilespmem:$0x1E100] =	vst v63  }
0x31: {  	_ =	swait.ge [sflag:s26], $0x100  }
0x32: {  	[sflag:s26] =	ssyncset.done $0x0  }
0x33: {  	[sflag:s26] =	ssyncadd.s32 $0xFFFFFF00  }
0x34: {  	v2 =	vld.msk [tilespmem:$0x0], $0xff;
	_ =	sdelay $0x4  }
0x35: {  	v3 =	vshll.u32 v2, $0x3  }
0x36: {  	v2 =	vand.u32 $0x7, v2;
	v3 =	vand.u32 $0xFFFFFFC0, v3  }
0x37: {  	v2 =	vor.u32 v2, v3  }
0x38: {  	v2 =	vperm.xlane v2, v0;
	_ =	sdelay $0x1  }
0x39: {  	v2 =	vadd.s32 v1, v2;
	_ =	sdelay $0x3  }
0x3a: {  	s28 =	simm.s32 $0x100  }
0x3b: {  	[tilespmem:s28], [sflag:$0x1] =	stream.indirect_vreg.gather [hbm4b:s21+s3], $0x80, v2, vm0, $0xb8;
	[tilespmem:$0x1E100] =	vst v63  }
0x3c: {  	s30 =	simm.s32 $0x900  }
0x3d: {  	[tilespmem:s30], [sflag:$0x1] =	stream.indirect_vreg.gather [hbm4b:s5+s3], $0x80, v2, vm0, $0xb8;
	[tilespmem:$0x1E100] =	vst v63  }
0x3e: {  	s1 =	simm.s32 $0x1100  }
0x3f: {  	[tilespmem:s1], [sflag:$0x1] =	stream.indirect_vreg.gather [hbm4b:s6+s3], $0x80, v2, vm0, $0xb8;
	[tilespmem:$0x1E100] =	vst v63  }
0x40: {  	s2 =	simm.s32 $0x1900  }
0x41: {  	[tilespmem:s2], [sflag:$0x1] =	stream.indirect_vreg.gather [hbm4b:s7+s3], $0x80, v2, vm0, $0xb8;
	[tilespmem:$0x1E100] =	vst v63  }
0x42: {  	v2 =	vld.msk [tilespmem:$0x8], $0xff;
	_ =	sdelay $0x4  }
0x43: {  	v3 =	vshll.u32 v2, $0x3  }
0x44: {  	v2 =	vand.u32 $0x7, v2;
	v3 =	vand.u32 $0xFFFFFFC0, v3  }
0x45: {  	v2 =	vor.u32 v2, v3  }
0x46: {  	v2 =	vperm.xlane v2, v0;
	_ =	sdelay $0x1  }
0x47: {  	v2 =	vadd.s32 v1, v2;
	_ =	sdelay $0x3  }
0x48: {  	s4 =	simm.s32 $0x2100  }
0x49: {  	[tilespmem:s4], [sflag:$0x2] =	stream.indirect_vreg.gather [hbm4b:s21+s3], $0x80, v2, vm0, $0xb8;
	[tilespmem:$0x1E100] =	vst v63  }
0x4a: {  	s8 =	simm.s32 $0x2900  }
0x4b: {  	[tilespmem:s8], [sflag:$0x2] =	stream.indirect_vreg.gather [hbm4b:s5+s3], $0x80, v2, vm0, $0xb8;
	[tilespmem:$0x1E100] =	vst v63  }
0x4c: {  	s9 =	simm.s32 $0x3100  }
0x4d: {  	[tilespmem:s9], [sflag:$0x2] =	stream.indirect_vreg.gather [hbm4b:s6+s3], $0x80, v2, vm0, $0xb8;
	[tilespmem:$0x1E100] =	vst v63  }
0x4e: {  	s10 =	simm.s32 $0x3900  }
0x4f: {  	[tilespmem:s10], [sflag:$0x2] =	stream.indirect_vreg.gather [hbm4b:s7+s3], $0x80, v2, vm0, $0xb8;
	[tilespmem:$0x1E100] =	vst v63  }
0x50: {  	v2 =	vld.msk [tilespmem:$0x10], $0xff;
	_ =	sdelay $0x4  }
0x51: {  	v3 =	vshll.u32 v2, $0x3  }
0x52: {  	v2 =	vand.u32 $0x7, v2;
	v3 =	vand.u32 $0xFFFFFFC0, v3  }
0x53: {  	v2 =	vor.u32 v2, v3  }
0x54: {  	v2 =	vperm.xlane v2, v0;
	_ =	sdelay $0x1  }
0x55: {  	v2 =	vadd.s32 v1, v2;
	_ =	sdelay $0x3  }
0x56: {  	s13 =	simm.s32 $0x4100  }
0x57: {  	[tilespmem:s13], [sflag:$0x3] =	stream.indirect_vreg.gather [hbm4b:s21+s3], $0x80, v2, vm0, $0xb8;
	[tilespmem:$0x1E100] =	vst v63  }
0x58: {  	s9 =	simm.s32 $0x4900  }
0x59: {  	[tilespmem:s9], [sflag:$0x3] =	stream.indirect_vreg.gather [hbm4b:s5+s3], $0x80, v2, vm0, $0xb8;
	[tilespmem:$0x1E100] =	vst v63  }
0x5a: {  	s25 =	simm.s32 $0x5100  }
0x5b: {  	[tilespmem:s25], [sflag:$0x3] =	stream.indirect_vreg.gather [hbm4b:s6+s3], $0x80, v2, vm0, $0xb8;
	[tilespmem:$0x1E100] =	vst v63  }
0x5c: {  	s0 =	simm.s32 $0x5900  }
0x5d: {  	[tilespmem:s0], [sflag:$0x3] =	stream.indirect_vreg.gather [hbm4b:s7+s3], $0x80, v2, vm0, $0xb8;
	[tilespmem:$0x1E100] =	vst v63  }
0x5e: {  	v2 =	vld.msk [tilespmem:$0x18], $0xff;
	_ =	sdelay $0x4  }
0x5f: {  	v3 =	vshll.u32 v2, $0x3  }
0x60: {  	v2 =	vand.u32 $0x7, v2;
	v3 =	vand.u32 $0xFFFFFFC0, v3  }
0x61: {  	v2 =	vor.u32 v2, v3  }
0x62: {  	v2 =	vperm.xlane v2, v0;
	_ =	sdelay $0x1  }
0x63: {  	v2 =	vadd.s32 v1, v2;
	_ =	sdelay $0x3  }
0x64: {  	s1 =	simm.s32 $0x6100  }
0x65: {  	[tilespmem:s1], [sflag:$0x4] =	stream.indirect_vreg.gather [hbm4b:s21+s3], $0x80, v2, vm0, $0xb8;
	[tilespmem:$0x1E100] =	vst v63  }
0x66: {  	s30 =	simm.s32 $0x6900  }
0x67: {  	[tilespmem:s30], [sflag:$0x4] =	stream.indirect_vreg.gather [hbm4b:s5+s3], $0x80, v2, vm0, $0xb8;
	[tilespmem:$0x1E100] =	vst v63  }
0x68: {  	s2 =	simm.s32 $0x7100  }
0x69: {  	[tilespmem:s2], [sflag:$0x4] =	stream.indirect_vreg.gather [hbm4b:s6+s3], $0x80, v2, vm0, $0xb8;
	[tilespmem:$0x1E100] =	vst v63  }
0x6a: {  	s19 =	simm.s32 $0x7900  }
0x6b: {  	[tilespmem:s19], [sflag:$0x4] =	stream.indirect_vreg.gather [hbm4b:s7+s3], $0x80, v2, vm0, $0xb8;
	[tilespmem:$0x1E100] =	vst v63  }
0x6c: {  	v2 =	vld.msk [tilespmem:$0x20], $0xff;
	_ =	sdelay $0x4  }
0x6d: {  	v3 =	vshll.u32 v2, $0x3  }
0x6e: {  	v2 =	vand.u32 $0x7, v2;
	v3 =	vand.u32 $0xFFFFFFC0, v3  }
0x6f: {  	v2 =	vor.u32 v2, v3  }
0x70: {  	v2 =	vperm.xlane v2, v0;
	_ =	sdelay $0x1  }
0x71: {  	v2 =	vadd.s32 v1, v2;
	_ =	sdelay $0x3  }
0x72: {  	s15 =	simm.s32 $0x8100  }
0x73: {  	[tilespmem:s15], [sflag:$0x5] =	stream.indirect_vreg.gather [hbm4b:s21+s3], $0x80, v2, vm0, $0xb8;
	[tilespmem:$0x1E100] =	vst v63  }
0x74: {  	s28 =	simm.s32 $0x8900  }
0x75: {  	[tilespmem:s28], [sflag:$0x5] =	stream.indirect_vreg.gather [hbm4b:s5+s3], $0x80, v2, vm0, $0xb8;
	[tilespmem:$0x1E100] =	vst v63  }
0x76: {  	s10 =	simm.s32 $0x9100  }
0x77: {  	[tilespmem:s10], [sflag:$0x5] =	stream.indirect_vreg.gather [hbm4b:s6+s3], $0x80, v2, vm0, $0xb8;
	[tilespmem:$0x1E100] =	vst v63  }
0x78: {  	s1 =	simm.s32 $0x9900  }
0x79: {  	[tilespmem:s1], [sflag:$0x5] =	stream.indirect_vreg.gather [hbm4b:s7+s3], $0x80, v2, vm0, $0xb8;
	[tilespmem:$0x1E100] =	vst v63  }
0x7a: {  	v2 =	vld.msk [tilespmem:$0x28], $0xff;
	_ =	sdelay $0x4  }
0x7b: {  	v3 =	vshll.u32 v2, $0x3  }
0x7c: {  	v2 =	vand.u32 $0x7, v2;
	v3 =	vand.u32 $0xFFFFFFC0, v3  }
0x7d: {  	v2 =	vor.u32 v2, v3  }
0x7e: {  	v2 =	vperm.xlane v2, v0;
	_ =	sdelay $0x1  }
0x7f: {  	v2 =	vadd.s32 v1, v2;
	_ =	sdelay $0x3  }
0x80: {  	s16 =	simm.s32 $0xA100  }
0x81: {  	[tilespmem:s16], [sflag:$0x6] =	stream.indirect_vreg.gather [hbm4b:s21+s3], $0x80, v2, vm0, $0xb8;
	[tilespmem:$0x1E100] =	vst v63  }
0x82: {  	s13 =	simm.s32 $0xA900  }
0x83: {  	[tilespmem:s13], [sflag:$0x6] =	stream.indirect_vreg.gather [hbm4b:s5+s3], $0x80, v2, vm0, $0xb8;
	[tilespmem:$0x1E100] =	vst v63  }
0x84: {  	s8 =	simm.s32 $0xB100  }
0x85: {  	[tilespmem:s8], [sflag:$0x6] =	stream.indirect_vreg.gather [hbm4b:s6+s3], $0x80, v2, vm0, $0xb8;
	[tilespmem:$0x1E100] =	vst v63  }
0x86: {  	s16 =	simm.s32 $0xB900  }
0x87: {  	[tilespmem:s16], [sflag:$0x6] =	stream.indirect_vreg.gather [hbm4b:s7+s3], $0x80, v2, vm0, $0xb8;
	[tilespmem:$0x1E100] =	vst v63  }
0x88: {  	v2 =	vld.msk [tilespmem:$0x30], $0xff;
	_ =	sdelay $0x4  }
0x89: {  	v3 =	vshll.u32 v2, $0x3  }
0x8a: {  	v2 =	vand.u32 $0x7, v2;
	v3 =	vand.u32 $0xFFFFFFC0, v3  }
0x8b: {  	v2 =	vor.u32 v2, v3  }
0x8c: {  	v2 =	vperm.xlane v2, v0;
	_ =	sdelay $0x1  }
0x8d: {  	v2 =	vadd.s32 v1, v2;
	_ =	sdelay $0x3  }
0x8e: {  	s22 =	simm.s32 $0xC100  }
0x8f: {  	[tilespmem:s22], [sflag:$0x7] =	stream.indirect_vreg.gather [hbm4b:s21+s3], $0x80, v2, vm0, $0xb8;
	[tilespmem:$0x1E100] =	vst v63  }
0x90: {  	s22 =	simm.s32 $0xC900  }
0x91: {  	[tilespmem:s22], [sflag:$0x7] =	stream.indirect_vreg.gather [hbm4b:s5+s3], $0x80, v2, vm0, $0xb8;
	[tilespmem:$0x1E100] =	vst v63  }
0x92: {  	s15 =	simm.s32 $0xD100  }
0x93: {  	[tilespmem:s15], [sflag:$0x7] =	stream.indirect_vreg.gather [hbm4b:s6+s3], $0x80, v2, vm0, $0xb8;
	[tilespmem:$0x1E100] =	vst v63  }
0x94: {  	s15 =	simm.s32 $0xD900  }
0x95: {  	[tilespmem:s15], [sflag:$0x7] =	stream.indirect_vreg.gather [hbm4b:s7+s3], $0x80, v2, vm0, $0xb8;
	[tilespmem:$0x1E100] =	vst v63  }
0x96: {  	v2 =	vld.msk [tilespmem:$0x38], $0xff;
	_ =	sdelay $0x4  }
0x97: {  	v3 =	vshll.u32 v2, $0x3  }
0x98: {  	v2 =	vand.u32 $0x7, v2;
	v3 =	vand.u32 $0xFFFFFFC0, v3  }
0x99: {  	v2 =	vor.u32 v2, v3  }
0x9a: {  	v2 =	vperm.xlane v2, v0;
	_ =	sdelay $0x1  }
0x9b: {  	v2 =	vadd.s32 v1, v2;
	_ =	sdelay $0x3  }
0x9c: {  	s4 =	simm.s32 $0xE100  }
0x9d: {  	[tilespmem:s4], [sflag:$0x8] =	stream.indirect_vreg.gather [hbm4b:s21+s3], $0x80, v2, vm0, $0xb8;
	[tilespmem:$0x1E100] =	vst v63  }
0x9e: {  	s4 =	simm.s32 $0xE900  }
0x9f: {  	[tilespmem:s4], [sflag:$0x8] =	stream.indirect_vreg.gather [hbm4b:s5+s3], $0x80, v2, vm0, $0xb8;
	[tilespmem:$0x1E100] =	vst v63  }
0xa0: {  	s4 =	simm.s32 $0xF100  }
0xa1: {  	[tilespmem:s4], [sflag:$0x8] =	stream.indirect_vreg.gather [hbm4b:s6+s3], $0x80, v2, vm0, $0xb8;
	[tilespmem:$0x1E100] =	vst v63  }
0xa2: {  	s4 =	simm.s32 $0xF900  }
0xa3: {  	[tilespmem:s4], [sflag:$0x8] =	stream.indirect_vreg.gather [hbm4b:s7+s3], $0x80, v2, vm0, $0xb8;
	[tilespmem:$0x1E100] =	vst v63  }
0xa4: {  	v2 =	vld.msk [tilespmem:$0x40], $0xff;
	_ =	sdelay $0x4  }
0xa5: {  	v3 =	vshll.u32 v2, $0x3  }
0xa6: {  	v2 =	vand.u32 $0x7, v2;
	v3 =	vand.u32 $0xFFFFFFC0, v3  }
0xa7: {  	v2 =	vor.u32 v2, v3  }
0xa8: {  	v2 =	vperm.xlane v2, v0;
	_ =	sdelay $0x1  }
0xa9: {  	v2 =	vadd.s32 v1, v2;
	_ =	sdelay $0x3  }
0xaa: {  	s4 =	simm.s32 $0x10100  }
0xab: {  	[tilespmem:s4], [sflag:$0x9] =	stream.indirect_vreg.gather [hbm4b:s21+s3], $0x80, v2, vm0, $0xb8;
	[tilespmem:$0x1E100] =	vst v63  }
0xac: {  	s4 =	simm.s32 $0x10900  }
0xad: {  	[tilespmem:s4], [sflag:$0x9] =	stream.indirect_vreg.gather [hbm4b:s5+s3], $0x80, v2, vm0, $0xb8;
	[tilespmem:$0x1E100] =	vst v63  }
0xae: {  	s4 =	simm.s32 $0x11100  }
0xaf: {  	[tilespmem:s4], [sflag:$0x9] =	stream.indirect_vreg.gather [hbm4b:s6+s3], $0x80, v2, vm0, $0xb8;
	[tilespmem:$0x1E100] =	vst v63  }
0xb0: {  	s4 =	simm.s32 $0x11900  }
0xb1: {  	[tilespmem:s4], [sflag:$0x9] =	stream.indirect_vreg.gather [hbm4b:s7+s3], $0x80, v2, vm0, $0xb8;
	[tilespmem:$0x1E100] =	vst v63  }
0xb2: {  	v2 =	vld.msk [tilespmem:$0x48], $0xff;
	_ =	sdelay $0x4  }
0xb3: {  	v3 =	vshll.u32 v2, $0x3  }
0xb4: {  	v2 =	vand.u32 $0x7, v2;
	v3 =	vand.u32 $0xFFFFFFC0, v3  }
0xb5: {  	v2 =	vor.u32 v2, v3  }
0xb6: {  	v2 =	vperm.xlane v2, v0;
	_ =	sdelay $0x1  }
0xb7: {  	v2 =	vadd.s32 v1, v2;
	_ =	sdelay $0x3  }
0xb8: {  	s4 =	simm.s32 $0x12100  }
0xb9: {  	[tilespmem:s4], [sflag:$0xA] =	stream.indirect_vreg.gather [hbm4b:s21+s3], $0x80, v2, vm0, $0xb8;
	[tilespmem:$0x1E100] =	vst v63  }
0xba: {  	s4 =	simm.s32 $0x12900  }
0xbb: {  	[tilespmem:s4], [sflag:$0xA] =	stream.indirect_vreg.gather [hbm4b:s5+s3], $0x80, v2, vm0, $0xb8;
	[tilespmem:$0x1E100] =	vst v63  }
0xbc: {  	s4 =	simm.s32 $0x13100  }
0xbd: {  	[tilespmem:s4], [sflag:$0xA] =	stream.indirect_vreg.gather [hbm4b:s6+s3], $0x80, v2, vm0, $0xb8;
	[tilespmem:$0x1E100] =	vst v63  }
0xbe: {  	s4 =	simm.s32 $0x13900  }
0xbf: {  	[tilespmem:s4], [sflag:$0xA] =	stream.indirect_vreg.gather [hbm4b:s7+s3], $0x80, v2, vm0, $0xb8;
	[tilespmem:$0x1E100] =	vst v63  }
0xc0: {  	v2 =	vld.msk [tilespmem:$0x50], $0xff;
	_ =	sdelay $0x4  }
0xc1: {  	v3 =	vshll.u32 v2, $0x3  }
0xc2: {  	v2 =	vand.u32 $0x7, v2;
	v3 =	vand.u32 $0xFFFFFFC0, v3  }
0xc3: {  	v2 =	vor.u32 v2, v3  }
0xc4: {  	v2 =	vperm.xlane v2, v0;
	_ =	sdelay $0x1  }
0xc5: {  	v2 =	vadd.s32 v1, v2;
	_ =	sdelay $0x3  }
0xc6: {  	s4 =	simm.s32 $0x14100  }
0xc7: {  	[tilespmem:s4], [sflag:$0xB] =	stream.indirect_vreg.gather [hbm4b:s21+s3], $0x80, v2, vm0, $0xb8;
	[tilespmem:$0x1E100] =	vst v63  }
0xc8: {  	s4 =	simm.s32 $0x14900  }
0xc9: {  	[tilespmem:s4], [sflag:$0xB] =	stream.indirect_vreg.gather [hbm4b:s5+s3], $0x80, v2, vm0, $0xb8;
	[tilespmem:$0x1E100] =	vst v63  }
0xca: {  	s4 =	simm.s32 $0x15100  }
0xcb: {  	[tilespmem:s4], [sflag:$0xB] =	stream.indirect_vreg.gather [hbm4b:s6+s3], $0x80, v2, vm0, $0xb8;
	[tilespmem:$0x1E100] =	vst v63  }
0xcc: {  	s4 =	simm.s32 $0x15900  }
0xcd: {  	[tilespmem:s4], [sflag:$0xB] =	stream.indirect_vreg.gather [hbm4b:s7+s3], $0x80, v2, vm0, $0xb8;
	[tilespmem:$0x1E100] =	vst v63  }
0xce: {  	v2 =	vld.msk [tilespmem:$0x58], $0xff;
	_ =	sdelay $0x4  }
0xcf: {  	v3 =	vshll.u32 v2, $0x3  }
0xd0: {  	v2 =	vand.u32 $0x7, v2;
	v3 =	vand.u32 $0xFFFFFFC0, v3  }
0xd1: {  	v2 =	vor.u32 v2, v3  }
0xd2: {  	v2 =	vperm.xlane v2, v0;
	_ =	sdelay $0x1  }
0xd3: {  	v2 =	vadd.s32 v1, v2;
	_ =	sdelay $0x3  }
0xd4: {  	s4 =	simm.s32 $0x16100  }
0xd5: {  	[tilespmem:s4], [sflag:$0xC] =	stream.indirect_vreg.gather [hbm4b:s21+s3], $0x80, v2, vm0, $0xb8;
	[tilespmem:$0x1E100] =	vst v63  }
0xd6: {  	s4 =	simm.s32 $0x16900  }
0xd7: {  	[tilespmem:s4], [sflag:$0xC] =	stream.indirect_vreg.gather [hbm4b:s5+s3], $0x80, v2, vm0, $0xb8;
	[tilespmem:$0x1E100] =	vst v63  }
0xd8: {  	s4 =	simm.s32 $0x17100  }
0xd9: {  	[tilespmem:s4], [sflag:$0xC] =	stream.indirect_vreg.gather [hbm4b:s6+s3], $0x80, v2, vm0, $0xb8;
	[tilespmem:$0x1E100] =	vst v63  }
0xda: {  	s4 =	simm.s32 $0x17900  }
0xdb: {  	[tilespmem:s4], [sflag:$0xC] =	stream.indirect_vreg.gather [hbm4b:s7+s3], $0x80, v2, vm0, $0xb8;
	[tilespmem:$0x1E100] =	vst v63  }
0xdc: {  	v2 =	vld.msk [tilespmem:$0x60], $0xff;
	_ =	sdelay $0x4  }
0xdd: {  	v3 =	vshll.u32 v2, $0x3  }
0xde: {  	v2 =	vand.u32 $0x7, v2;
	v3 =	vand.u32 $0xFFFFFFC0, v3  }
0xdf: {  	v2 =	vor.u32 v2, v3  }
0xe0: {  	v2 =	vperm.xlane v2, v0;
	_ =	sdelay $0x1  }
0xe1: {  	v2 =	vadd.s32 v1, v2;
	_ =	sdelay $0x3  }
0xe2: {  	s4 =	simm.s32 $0x18100  }
0xe3: {  	[tilespmem:s4], [sflag:$0xD] =	stream.indirect_vreg.gather [hbm4b:s21+s3], $0x80, v2, vm0, $0xb8;
	[tilespmem:$0x1E100] =	vst v63  }
0xe4: {  	s4 =	simm.s32 $0x18900  }
0xe5: {  	[tilespmem:s4], [sflag:$0xD] =	stream.indirect_vreg.gather [hbm4b:s5+s3], $0x80, v2, vm0, $0xb8;
	[tilespmem:$0x1E100] =	vst v63  }
0xe6: {  	s4 =	simm.s32 $0x19100  }
0xe7: {  	[tilespmem:s4], [sflag:$0xD] =	stream.indirect_vreg.gather [hbm4b:s6+s3], $0x80, v2, vm0, $0xb8;
	[tilespmem:$0x1E100] =	vst v63  }
0xe8: {  	s4 =	simm.s32 $0x19900  }
0xe9: {  	[tilespmem:s4], [sflag:$0xD] =	stream.indirect_vreg.gather [hbm4b:s7+s3], $0x80, v2, vm0, $0xb8;
	[tilespmem:$0x1E100] =	vst v63  }
0xea: {  	v2 =	vld.msk [tilespmem:$0x68], $0xff;
	_ =	sdelay $0x4  }
0xeb: {  	v3 =	vshll.u32 v2, $0x3  }
0xec: {  	v2 =	vand.u32 $0x7, v2;
	v3 =	vand.u32 $0xFFFFFFC0, v3  }
0xed: {  	v2 =	vor.u32 v2, v3  }
0xee: {  	v2 =	vperm.xlane v2, v0;
	_ =	sdelay $0x1  }
0xef: {  	v2 =	vadd.s32 v1, v2;
	_ =	sdelay $0x3  }
0xf0: {  	s4 =	simm.s32 $0x1A100  }
0xf1: {  	[tilespmem:s4], [sflag:$0xE] =	stream.indirect_vreg.gather [hbm4b:s21+s3], $0x80, v2, vm0, $0xb8;
	[tilespmem:$0x1E100] =	vst v63  }
0xf2: {  	s4 =	simm.s32 $0x1A900  }
0xf3: {  	[tilespmem:s4], [sflag:$0xE] =	stream.indirect_vreg.gather [hbm4b:s5+s3], $0x80, v2, vm0, $0xb8;
	[tilespmem:$0x1E100] =	vst v63  }
0xf4: {  	s4 =	simm.s32 $0x1B100  }
0xf5: {  	[tilespmem:s4], [sflag:$0xE] =	stream.indirect_vreg.gather [hbm4b:s6+s3], $0x80, v2, vm0, $0xb8;
	[tilespmem:$0x1E100] =	vst v63  }
0xf6: {  	s4 =	simm.s32 $0x1B900  }
0xf7: {  	[tilespmem:s4], [sflag:$0xE] =	stream.indirect_vreg.gather [hbm4b:s7+s3], $0x80, v2, vm0, $0xb8;
	[tilespmem:$0x1E100] =	vst v63  }
0xf8: {  	_ =	swait.ge [sflag:s29], $0x2000  }
0xf9: {  	s4 =	sld [smem:$0x7FA]  }
0xfa: {  	[sflag:s29] =	ssyncset.done $0x0  }
0xfb: {  	s11 =	simm.s32 $0x100;
	[sflag:s29] =	ssyncadd.s32 $0xFFFFE000  }
0xfc: {  	[hbm4b:s4+s3] =	stream.linear.scatter [tilespmem:s11], [sflag:$0x10], $0x2000, $0x38;
	[tilespmem:$0x1E100] =	vst v63  }
0xfd: {  	v2 =	vld.msk [tilespmem:$0x70], $0xff;
	_ =	sdelay $0x4  }
0xfe: {  	v3 =	vshll.u32 v2, $0x3  }
0xff: {  	v2 =	vand.u32 $0x7, v2;
	v3 =	vand.u32 $0xFFFFFFC0, v3  }
0x100: {  	v2 =	vor.u32 v2, v3  }
0x101: {  	v2 =	vperm.xlane v2, v0;
	_ =	sdelay $0x1  }
0x102: {  	v2 =	vadd.s32 v1, v2;
	_ =	sdelay $0x3  }
0x103: {  	s4 =	simm.s32 $0x1C100  }
0x104: {  	[tilespmem:s4], [sflag:$0xF] =	stream.indirect_vreg.gather [hbm4b:s21+s3], $0x80, v2, vm0, $0xb8;
	[tilespmem:$0x1E100] =	vst v63  }
0x105: {  	s4 =	simm.s32 $0x1C900  }
0x106: {  	[tilespmem:s4], [sflag:$0xF] =	stream.indirect_vreg.gather [hbm4b:s5+s3], $0x80, v2, vm0, $0xb8;
	[tilespmem:$0x1E100] =	vst v63  }
0x107: {  	s4 =	simm.s32 $0x1D100  }
0x108: {  	[tilespmem:s4], [sflag:$0xF] =	stream.indirect_vreg.gather [hbm4b:s6+s3], $0x80, v2, vm0, $0xb8;
	[tilespmem:$0x1E100] =	vst v63  }
0x109: {  	s4 =	simm.s32 $0x1D900  }
0x10a: {  	[tilespmem:s4], [sflag:$0xF] =	stream.indirect_vreg.gather [hbm4b:s7+s3], $0x80, v2, vm0, $0xb8;
	[tilespmem:$0x1E100] =	vst v63  }
0x10b: {  	_ =	swait.ge [sflag:s17], $0x2000  }
0x10c: {  	[sflag:s17] =	ssyncset.done $0x0  }
0x10d: {  	s12 =	simm.s32 $0x2100;
	s4 =	rddreg [dreg:$0x5];
	[sflag:s17] =	ssyncadd.s32 $0xFFFFE000  }
0x10e: {  	[hbm4b:s4+s3] =	stream.linear.scatter [tilespmem:s12], [sflag:$0x11], $0x2000, $0x38;
	[tilespmem:$0x1E100] =	vst v63  }
0x10f: {  	s4 =	simm.s32 $0x10  }
0x110: {  	_ =	swait.ge [sflag:s4], $0x2000  }
0x111: {  	[sflag:s4] =	ssyncset.done $0x0  }
0x112: {  	[sflag:s4] =	ssyncadd.s32 $0xFFFFE000  }
0x113: {  	v2 =	vld.msk [tilespmem:$0x78], $0xff;
	_ =	sdelay $0x4  }
0x114: {  	v3 =	vshll.u32 v2, $0x3  }
0x115: {  	v2 =	vand.u32 $0x7, v2;
	v3 =	vand.u32 $0xFFFFFFC0, v3  }
0x116: {  	v2 =	vor.u32 v2, v3  }
0x117: {  	v2 =	vperm.xlane v2, v0;
	_ =	sdelay $0x1  }
0x118: {  	v2 =	vadd.s32 v1, v2;
	_ =	sdelay $0x4  }
0x119: {  	[tilespmem:s11], [sflag:$0x1] =	stream.indirect_vreg.gather [hbm4b:s21+s3], $0x80, v2, vm0, $0xb8;
	[tilespmem:$0x1E100] =	vst v63  }
0x11a: {  	s20 =	simm.s32 $0x900  }
0x11b: {  	[tilespmem:s20], [sflag:$0x1] =	stream.indirect_vreg.gather [hbm4b:s5+s3], $0x80, v2, vm0, $0xb8;
	[tilespmem:$0x1E100] =	vst v63  }
0x11c: {  	s24 =	simm.s32 $0x1100  }
0x11d: {  	[tilespmem:s24], [sflag:$0x1] =	stream.indirect_vreg.gather [hbm4b:s6+s3], $0x80, v2, vm0, $0xb8;
	[tilespmem:$0x1E100] =	vst v63  }
0x11e: {  	s26 =	simm.s32 $0x1900;
	s24 =	simm.s32 $0x3  }
0x11f: {  	[tilespmem:s26], [sflag:$0x1] =	stream.indirect_vreg.gather [hbm4b:s7+s3], $0x80, v2, vm0, $0xb8;
	[tilespmem:$0x1E100] =	vst v63  }
0x120: {  	_ =	swait.ge [sflag:s24], $0x2000  }
0x121: {  	[sflag:s24] =	ssyncset.done $0x0  }
0x122: {  	s26 =	rddreg [dreg:$0x6];
	[sflag:s24] =	ssyncadd.s32 $0xFFFFE000;
	s24 =	simm.s32 $0x4100  }
0x123: {  	[hbm4b:s26+s3] =	stream.linear.scatter [tilespmem:s24], [sflag:$0x12], $0x2000, $0x38;
	[tilespmem:$0x1E100] =	vst v63  }
0x124: {  	_ =	swait.ge [sflag:s31], $0x2000  }
0x125: {  	[sflag:s31] =	ssyncset.done $0x0  }
0x126: {  	[sflag:s31] =	ssyncadd.s32 $0xFFFFE000  }
0x127: {  	v2 =	vld.msk [tilespmem:$0x80], $0xff;
	_ =	sdelay $0x4  }
0x128: {  	v3 =	vshll.u32 v2, $0x3  }
0x129: {  	v2 =	vand.u32 $0x7, v2;
	v3 =	vand.u32 $0xFFFFFFC0, v3  }
0x12a: {  	v2 =	vor.u32 v2, v3  }
0x12b: {  	v2 =	vperm.xlane v2, v0;
	_ =	sdelay $0x1  }
0x12c: {  	v2 =	vadd.s32 v1, v2;
	_ =	sdelay $0x4  }
0x12d: {  	[tilespmem:s12], [sflag:$0x2] =	stream.indirect_vreg.gather [hbm4b:s21+s3], $0x80, v2, vm0, $0xb8;
	[tilespmem:$0x1E100] =	vst v63  }
0x12e: {  	s14 =	simm.s32 $0x2900  }
0x12f: {  	[tilespmem:s14], [sflag:$0x2] =	stream.indirect_vreg.gather [hbm4b:s5+s3], $0x80, v2, vm0, $0xb8;
	[tilespmem:$0x1E100] =	vst v63  }
0x130: {  	s18 =	simm.s32 $0x3100  }
0x131: {  	[tilespmem:s18], [sflag:$0x2] =	stream.indirect_vreg.gather [hbm4b:s6+s3], $0x80, v2, vm0, $0xb8;
	[tilespmem:$0x1E100] =	vst v63  }
0x132: {  	s23 =	simm.s32 $0x3900;
	s20 =	simm.s32 $0x4  }
0x133: {  	[tilespmem:s23], [sflag:$0x2] =	stream.indirect_vreg.gather [hbm4b:s7+s3], $0x80, v2, vm0, $0xb8;
	[tilespmem:$0x1E100] =	vst v63  }
0x134: {  	_ =	swait.ge [sflag:s20], $0x2000  }
0x135: {  	s26 =	simm.s32 $0x6100;
	[sflag:s20] =	ssyncset.done $0x0  }
0x136: {  	s12 =	simm.s32 $0x12;
	s23 =	rddreg [dreg:$0x7];
	[sflag:s20] =	ssyncadd.s32 $0xFFFFE000  }
0x137: {  	[hbm4b:s23+s3] =	stream.linear.scatter [tilespmem:s26], [sflag:$0x13], $0x2000, $0x38;
	[tilespmem:$0x1E100] =	vst v63  }
0x138: {  	_ =	swait.ge [sflag:s12], $0x2000  }
0x139: {  	[sflag:s12] =	ssyncset.done $0x0  }
0x13a: {  	[sflag:s12] =	ssyncadd.s32 $0xFFFFE000  }
0x13b: {  	v2 =	vld.msk [tilespmem:$0x88], $0xff;
	_ =	sdelay $0x4  }
0x13c: {  	v3 =	vshll.u32 v2, $0x3  }
0x13d: {  	v2 =	vand.u32 $0x7, v2;
	v3 =	vand.u32 $0xFFFFFFC0, v3  }
0x13e: {  	v2 =	vor.u32 v2, v3  }
0x13f: {  	v2 =	vperm.xlane v2, v0;
	_ =	sdelay $0x1  }
0x140: {  	v2 =	vadd.s32 v1, v2;
	_ =	sdelay $0x4  }
0x141: {  	[tilespmem:s24], [sflag:$0x3] =	stream.indirect_vreg.gather [hbm4b:s21+s3], $0x80, v2, vm0, $0xb8;
	[tilespmem:$0x1E100] =	vst v63  }
0x142: {  	_ = 	snop  }
0x143: {  	[tilespmem:s9], [sflag:$0x3] =	stream.indirect_vreg.gather [hbm4b:s5+s3], $0x80, v2, vm0, $0xb8;
	[tilespmem:$0x1E100] =	vst v63  }
0x144: {  	_ = 	snop  }
0x145: {  	[tilespmem:s25], [sflag:$0x3] =	stream.indirect_vreg.gather [hbm4b:s6+s3], $0x80, v2, vm0, $0xb8;
	[tilespmem:$0x1E100] =	vst v63  }
0x146: {  	s20 =	simm.s32 $0x5  }
0x147: {  	[tilespmem:s0], [sflag:$0x3] =	stream.indirect_vreg.gather [hbm4b:s7+s3], $0x80, v2, vm0, $0xb8;
	[tilespmem:$0x1E100] =	vst v63  }
0x148: {  	_ =	swait.ge [sflag:s20], $0x2000  }
0x149: {  	s18 =	simm.s32 $0x8100;
	[sflag:s20] =	ssyncset.done $0x0  }
0x14a: {  	s23 =	simm.s32 $0x13;
	s14 =	rddreg [dreg:$0x8];
	[sflag:s20] =	ssyncadd.s32 $0xFFFFE000  }
0x14b: {  	[hbm4b:s14+s3] =	stream.linear.scatter [tilespmem:s18], [sflag:$0x14], $0x2000, $0x38;
	[tilespmem:$0x1E100] =	vst v63  }
0x14c: {  	_ =	swait.ge [sflag:s23], $0x2000  }
0x14d: {  	[sflag:s23] =	ssyncset.done $0x0  }
0x14e: {  	[sflag:s23] =	ssyncadd.s32 $0xFFFFE000  }
0x14f: {  	v2 =	vld.msk [tilespmem:$0x90], $0xff;
	_ =	sdelay $0x4  }
0x150: {  	v3 =	vshll.u32 v2, $0x3  }
0x151: {  	v2 =	vand.u32 $0x7, v2;
	v3 =	vand.u32 $0xFFFFFFC0, v3  }
0x152: {  	v2 =	vor.u32 v2, v3  }
0x153: {  	v2 =	vperm.xlane v2, v0;
	_ =	sdelay $0x1  }
0x154: {  	v2 =	vadd.s32 v1, v2;
	_ =	sdelay $0x4  }
0x155: {  	[tilespmem:s26], [sflag:$0x4] =	stream.indirect_vreg.gather [hbm4b:s21+s3], $0x80, v2, vm0, $0xb8;
	[tilespmem:$0x1E100] =	vst v63  }
0x156: {  	_ = 	snop  }
0x157: {  	[tilespmem:s30], [sflag:$0x4] =	stream.indirect_vreg.gather [hbm4b:s5+s3], $0x80, v2, vm0, $0xb8;
	[tilespmem:$0x1E100] =	vst v63  }
0x158: {  	_ = 	snop  }
0x159: {  	[tilespmem:s2], [sflag:$0x4] =	stream.indirect_vreg.gather [hbm4b:s6+s3], $0x80, v2, vm0, $0xb8;
	[tilespmem:$0x1E100] =	vst v63  }
0x15a: {  	_ = 	snop  }
0x15b: {  	[tilespmem:s19], [sflag:$0x4] =	stream.indirect_vreg.gather [hbm4b:s7+s3], $0x80, v2, vm0, $0xb8;
	[tilespmem:$0x1E100] =	vst v63  }
0x15c: {  	s19 =	simm.s32 $0x6  }
0x15d: {  	_ =	swait.ge [sflag:s19], $0x2000  }
0x15e: {  	s25 =	simm.s32 $0xA100;
	[sflag:s19] =	ssyncset.done $0x0  }
0x15f: {  	s26 =	simm.s32 $0x14;
	s24 =	rddreg [dreg:$0x9];
	[sflag:s19] =	ssyncadd.s32 $0xFFFFE000  }
0x160: {  	[hbm4b:s24+s3] =	stream.linear.scatter [tilespmem:s25], [sflag:$0x15], $0x2000, $0x38;
	[tilespmem:$0x1E100] =	vst v63  }
0x161: {  	_ =	swait.ge [sflag:s26], $0x2000  }
0x162: {  	[sflag:s26] =	ssyncset.done $0x0  }
0x163: {  	[sflag:s26] =	ssyncadd.s32 $0xFFFFE000  }
0x164: {  	v2 =	vld.msk [tilespmem:$0x98], $0xff;
	_ =	sdelay $0x4  }
0x165: {  	v3 =	vshll.u32 v2, $0x3  }
0x166: {  	v2 =	vand.u32 $0x7, v2;
	v3 =	vand.u32 $0xFFFFFFC0, v3  }
0x167: {  	v2 =	vor.u32 v2, v3  }
0x168: {  	v2 =	vperm.xlane v2, v0;
	_ =	sdelay $0x1  }
0x169: {  	v2 =	vadd.s32 v1, v2;
	_ =	sdelay $0x4  }
0x16a: {  	[tilespmem:s18], [sflag:$0x5] =	stream.indirect_vreg.gather [hbm4b:s21+s3], $0x80, v2, vm0, $0xb8;
	[tilespmem:$0x1E100] =	vst v63  }
0x16b: {  	_ = 	snop  }
0x16c: {  	[tilespmem:s28], [sflag:$0x5] =	stream.indirect_vreg.gather [hbm4b:s5+s3], $0x80, v2, vm0, $0xb8;
	[tilespmem:$0x1E100] =	vst v63  }
0x16d: {  	_ = 	snop  }
0x16e: {  	[tilespmem:s10], [sflag:$0x5] =	stream.indirect_vreg.gather [hbm4b:s6+s3], $0x80, v2, vm0, $0xb8;
	[tilespmem:$0x1E100] =	vst v63  }
0x16f: {  	s14 =	simm.s32 $0x7  }
0x170: {  	[tilespmem:s1], [sflag:$0x5] =	stream.indirect_vreg.gather [hbm4b:s7+s3], $0x80, v2, vm0, $0xb8;
	[tilespmem:$0x1E100] =	vst v63  }
0x171: {  	_ =	swait.ge [sflag:s14], $0x2000  }
0x172: {  	s4 =	simm.s32 $0x15;
	[sflag:s14] =	ssyncset.done $0x0  }
0x173: {  	s30 =	simm.s32 $0xC100;
	s28 =	rddreg [dreg:$0xa];
	[sflag:s14] =	ssyncadd.s32 $0xFFFFE000  }
0x174: {  	[hbm4b:s28+s3] =	stream.linear.scatter [tilespmem:s30], [sflag:$0x16], $0x2000, $0x38;
	[tilespmem:$0x1E100] =	vst v63  }
0x175: {  	_ =	swait.ge [sflag:s4], $0x2000  }
0x176: {  	[sflag:s4] =	ssyncset.done $0x0  }
0x177: {  	[sflag:s4] =	ssyncadd.s32 $0xFFFFE000  }
0x178: {  	v2 =	vld.msk [tilespmem:$0xA0], $0xff;
	_ =	sdelay $0x4  }
0x179: {  	v3 =	vshll.u32 v2, $0x3  }
0x17a: {  	v2 =	vand.u32 $0x7, v2;
	v3 =	vand.u32 $0xFFFFFFC0, v3  }
0x17b: {  	v2 =	vor.u32 v2, v3  }
0x17c: {  	v2 =	vperm.xlane v2, v0;
	_ =	sdelay $0x1  }
0x17d: {  	v2 =	vadd.s32 v1, v2;
	_ =	sdelay $0x4  }
0x17e: {  	[tilespmem:s25], [sflag:$0x6] =	stream.indirect_vreg.gather [hbm4b:s21+s3], $0x80, v2, vm0, $0xb8;
	[tilespmem:$0x1E100] =	vst v63  }
0x17f: {  	_ = 	snop  }
0x180: {  	[tilespmem:s13], [sflag:$0x6] =	stream.indirect_vreg.gather [hbm4b:s5+s3], $0x80, v2, vm0, $0xb8;
	[tilespmem:$0x1E100] =	vst v63  }
0x181: {  	_ = 	snop  }
0x182: {  	[tilespmem:s8], [sflag:$0x6] =	stream.indirect_vreg.gather [hbm4b:s6+s3], $0x80, v2, vm0, $0xb8;
	[tilespmem:$0x1E100] =	vst v63  }
0x183: {  	s13 =	simm.s32 $0x8  }
0x184: {  	[tilespmem:s16], [sflag:$0x6] =	stream.indirect_vreg.gather [hbm4b:s7+s3], $0x80, v2, vm0, $0xb8;
	[tilespmem:$0x1E100] =	vst v63  }
0x185: {  	_ =	swait.ge [sflag:s13], $0x2000  }
0x186: {  	s9 =	simm.s32 $0xE100;
	[sflag:s13] =	ssyncset.done $0x0  }
0x187: {  	s10 =	simm.s32 $0x16;
	s8 =	rddreg [dreg:$0xb];
	[sflag:s13] =	ssyncadd.s32 $0xFFFFE000  }
0x188: {  	[hbm4b:s8+s3] =	stream.linear.scatter [tilespmem:s9], [sflag:$0x17], $0x2000, $0x38;
	[tilespmem:$0x1E100] =	vst v63  }
0x189: {  	_ =	swait.ge [sflag:s10], $0x2000  }
0x18a: {  	[sflag:s10] =	ssyncset.done $0x0  }
0x18b: {  	[sflag:s10] =	ssyncadd.s32 $0xFFFFE000  }
0x18c: {  	v2 =	vld.msk [tilespmem:$0xA8], $0xff;
	_ =	sdelay $0x4  }
0x18d: {  	v3 =	vshll.u32 v2, $0x3  }
0x18e: {  	v2 =	vand.u32 $0x7, v2;
	v3 =	vand.u32 $0xFFFFFFC0, v3  }
0x18f: {  	v2 =	vor.u32 v2, v3  }
0x190: {  	v2 =	vperm.xlane v2, v0;
	_ =	sdelay $0x1  }
0x191: {  	v2 =	vadd.s32 v1, v2;
	_ =	sdelay $0x4  }
0x192: {  	[tilespmem:s30], [sflag:$0x7] =	stream.indirect_vreg.gather [hbm4b:s21+s3], $0x80, v2, vm0, $0xb8;
	[tilespmem:$0x1E100] =	vst v63  }
0x193: {  	_ = 	snop  }
0x194: {  	[tilespmem:s22], [sflag:$0x7] =	stream.indirect_vreg.gather [hbm4b:s5+s3], $0x80, v2, vm0, $0xb8;
	[tilespmem:$0x1E100] =	vst v63  }
0x195: {  	s11 =	simm.s32 $0xD100  }
0x196: {  	[tilespmem:s11], [sflag:$0x7] =	stream.indirect_vreg.gather [hbm4b:s6+s3], $0x80, v2, vm0, $0xb8;
	[tilespmem:$0x1E100] =	vst v63  }
0x197: {  	s16 =	simm.s32 $0x9  }
0x198: {  	[tilespmem:s15], [sflag:$0x7] =	stream.indirect_vreg.gather [hbm4b:s7+s3], $0x80, v2, vm0, $0xb8;
	[tilespmem:$0x1E100] =	vst v63  }
0x199: {  	_ =	swait.ge [sflag:s16], $0x2000  }
0x19a: {  	s18 =	simm.s32 $0x17;
	[sflag:s16] =	ssyncset.done $0x0  }
0x19b: {  	s15 =	simm.s32 $0x10100;
	s12 =	rddreg [dreg:$0xc];
	[sflag:s16] =	ssyncadd.s32 $0xFFFFE000  }
0x19c: {  	[hbm4b:s12+s3] =	stream.linear.scatter [tilespmem:s15], [sflag:$0x18], $0x2000, $0x38;
	[tilespmem:$0x1E100] =	vst v63  }
0x19d: {  	_ =	swait.ge [sflag:s18], $0x2000  }
0x19e: {  	[sflag:s18] =	ssyncset.done $0x0  }
0x19f: {  	[sflag:s18] =	ssyncadd.s32 $0xFFFFE000  }
0x1a0: {  	v2 =	vld.msk [tilespmem:$0xB0], $0xff;
	_ =	sdelay $0x4  }
0x1a1: {  	v3 =	vshll.u32 v2, $0x3  }
0x1a2: {  	v2 =	vand.u32 $0x7, v2;
	v3 =	vand.u32 $0xFFFFFFC0, v3  }
0x1a3: {  	v2 =	vor.u32 v2, v3  }
0x1a4: {  	v2 =	vperm.xlane v2, v0;
	_ =	sdelay $0x1  }
0x1a5: {  	v2 =	vadd.s32 v1, v2;
	_ =	sdelay $0x4  }
0x1a6: {  	[tilespmem:s9], [sflag:$0x8] =	stream.indirect_vreg.gather [hbm4b:s21+s3], $0x80, v2, vm0, $0xb8;
	[tilespmem:$0x1E100] =	vst v63  }
0x1a7: {  	s22 =	simm.s32 $0xE900  }
0x1a8: {  	[tilespmem:s22], [sflag:$0x8] =	stream.indirect_vreg.gather [hbm4b:s5+s3], $0x80, v2, vm0, $0xb8;
	[tilespmem:$0x1E100] =	vst v63  }
0x1a9: {  	s23 =	simm.s32 $0xF100  }
0x1aa: {  	[tilespmem:s23], [sflag:$0x8] =	stream.indirect_vreg.gather [hbm4b:s6+s3], $0x80, v2, vm0, $0xb8;
	[tilespmem:$0x1E100] =	vst v63  }
0x1ab: {  	s24 =	simm.s32 $0xF900;
	s22 =	simm.s32 $0xA  }
0x1ac: {  	[tilespmem:s24], [sflag:$0x8] =	stream.indirect_vreg.gather [hbm4b:s7+s3], $0x80, v2, vm0, $0xb8;
	[tilespmem:$0x1E100] =	vst v63  }
0x1ad: {  	_ =	swait.ge [sflag:s22], $0x2000  }
0x1ae: {  	[sflag:s22] =	ssyncset.done $0x0  }
0x1af: {  	s26 =	simm.s32 $0x12100;
	s25 =	rddreg [dreg:$0xd];
	[sflag:s22] =	ssyncadd.s32 $0xFFFFE000  }
0x1b0: {  	[hbm4b:s25+s3] =	stream.linear.scatter [tilespmem:s26], [sflag:$0x19], $0x2000, $0x38;
	[tilespmem:$0x1E100] =	vst v63  }
0x1b1: {  	s25 =	simm.s32 $0x18  }
0x1b2: {  	_ =	swait.ge [sflag:s25], $0x2000  }
0x1b3: {  	[sflag:s25] =	ssyncset.done $0x0  }
0x1b4: {  	[sflag:s25] =	ssyncadd.s32 $0xFFFFE000  }
0x1b5: {  	v2 =	vld.msk [tilespmem:$0xB8], $0xff;
	_ =	sdelay $0x4  }
0x1b6: {  	v3 =	vshll.u32 v2, $0x3  }
0x1b7: {  	v2 =	vand.u32 $0x7, v2;
	v3 =	vand.u32 $0xFFFFFFC0, v3  }
0x1b8: {  	v2 =	vor.u32 v2, v3  }
0x1b9: {  	v2 =	vperm.xlane v2, v0;
	_ =	sdelay $0x1  }
0x1ba: {  	v2 =	vadd.s32 v1, v2;
	_ =	sdelay $0x4  }
0x1bb: {  	[tilespmem:s15], [sflag:$0x9] =	stream.indirect_vreg.gather [hbm4b:s21+s3], $0x80, v2, vm0, $0xb8;
	[tilespmem:$0x1E100] =	vst v63  }
0x1bc: {  	s2 =	simm.s32 $0x10900  }
0x1bd: {  	[tilespmem:s2], [sflag:$0x9] =	stream.indirect_vreg.gather [hbm4b:s5+s3], $0x80, v2, vm0, $0xb8;
	[tilespmem:$0x1E100] =	vst v63  }
0x1be: {  	s4 =	simm.s32 $0x11100  }
0x1bf: {  	[tilespmem:s4], [sflag:$0x9] =	stream.indirect_vreg.gather [hbm4b:s6+s3], $0x80, v2, vm0, $0xb8;
	[tilespmem:$0x1E100] =	vst v63  }
0x1c0: {  	s28 =	simm.s32 $0xB;
	s8 =	simm.s32 $0x11900  }
0x1c1: {  	[tilespmem:s8], [sflag:$0x9] =	stream.indirect_vreg.gather [hbm4b:s7+s3], $0x80, v2, vm0, $0xb8;
	[tilespmem:$0x1E100] =	vst v63  }
0x1c2: {  	_ =	swait.ge [sflag:s28], $0x2000  }
0x1c3: {  	s10 =	simm.s32 $0x14100;
	[sflag:s28] =	ssyncset.done $0x0  }
0x1c4: {  	s30 =	simm.s32 $0x19;
	s9 =	rddreg [dreg:$0xe];
	[sflag:s28] =	ssyncadd.s32 $0xFFFFE000  }
0x1c5: {  	[hbm4b:s9+s3] =	stream.linear.scatter [tilespmem:s10], [sflag:$0x1A], $0x2000, $0x38;
	[tilespmem:$0x1E100] =	vst v63  }
0x1c6: {  	_ =	swait.ge [sflag:s30], $0x2000  }
0x1c7: {  	[sflag:s30] =	ssyncset.done $0x0  }
0x1c8: {  	[sflag:s30] =	ssyncadd.s32 $0xFFFFE000  }
0x1c9: {  	v2 =	vld.msk [tilespmem:$0xC0], $0xff;
	_ =	sdelay $0x4  }
0x1ca: {  	v3 =	vshll.u32 v2, $0x3  }
0x1cb: {  	v2 =	vand.u32 $0x7, v2;
	v3 =	vand.u32 $0xFFFFFFC0, v3  }
0x1cc: {  	v2 =	vor.u32 v2, v3  }
0x1cd: {  	v2 =	vperm.xlane v2, v0;
	_ =	sdelay $0x1  }
0x1ce: {  	v2 =	vadd.s32 v1, v2;
	_ =	sdelay $0x4  }
0x1cf: {  	[tilespmem:s26], [sflag:$0xA] =	stream.indirect_vreg.gather [hbm4b:s21+s3], $0x80, v2, vm0, $0xb8;
	[tilespmem:$0x1E100] =	vst v63  }
0x1d0: {  	s11 =	simm.s32 $0x12900  }
0x1d1: {  	[tilespmem:s11], [sflag:$0xA] =	stream.indirect_vreg.gather [hbm4b:s5+s3], $0x80, v2, vm0, $0xb8;
	[tilespmem:$0x1E100] =	vst v63  }
0x1d2: {  	s12 =	simm.s32 $0x13100  }
0x1d3: {  	[tilespmem:s12], [sflag:$0xA] =	stream.indirect_vreg.gather [hbm4b:s6+s3], $0x80, v2, vm0, $0xb8;
	[tilespmem:$0x1E100] =	vst v63  }
0x1d4: {  	s15 =	simm.s32 $0x13900;
	s11 =	simm.s32 $0xC  }
0x1d5: {  	[tilespmem:s15], [sflag:$0xA] =	stream.indirect_vreg.gather [hbm4b:s7+s3], $0x80, v2, vm0, $0xb8;
	[tilespmem:$0x1E100] =	vst v63  }
0x1d6: {  	_ =	swait.ge [sflag:s11], $0x2000  }
0x1d7: {  	s24 =	simm.s32 $0x16100;
	[sflag:s11] =	ssyncset.done $0x0  }
0x1d8: {  	s12 =	simm.s32 $0x1A;
	s23 =	rddreg [dreg:$0xf];
	[sflag:s11] =	ssyncadd.s32 $0xFFFFE000  }
0x1d9: {  	[hbm4b:s23+s3] =	stream.linear.scatter [tilespmem:s24], [sflag:$0x1B], $0x2000, $0x38;
	[tilespmem:$0x1E100] =	vst v63  }
0x1da: {  	_ =	swait.ge [sflag:s12], $0x2000  }
0x1db: {  	[sflag:s12] =	ssyncset.done $0x0  }
0x1dc: {  	[sflag:s12] =	ssyncadd.s32 $0xFFFFE000  }
0x1dd: {  	v2 =	vld.msk [tilespmem:$0xC8], $0xff;
	_ =	sdelay $0x4  }
0x1de: {  	v3 =	vshll.u32 v2, $0x3  }
0x1df: {  	v2 =	vand.u32 $0x7, v2;
	v3 =	vand.u32 $0xFFFFFFC0, v3  }
0x1e0: {  	v2 =	vor.u32 v2, v3  }
0x1e1: {  	v2 =	vperm.xlane v2, v0;
	_ =	sdelay $0x1  }
0x1e2: {  	v2 =	vadd.s32 v1, v2;
	_ =	sdelay $0x4  }
0x1e3: {  	[tilespmem:s10], [sflag:$0xB] =	stream.indirect_vreg.gather [hbm4b:s21+s3], $0x80, v2, vm0, $0xb8;
	[tilespmem:$0x1E100] =	vst v63  }
0x1e4: {  	s26 =	simm.s32 $0x14900  }
0x1e5: {  	[tilespmem:s26], [sflag:$0xB] =	stream.indirect_vreg.gather [hbm4b:s5+s3], $0x80, v2, vm0, $0xb8;
	[tilespmem:$0x1E100] =	vst v63  }
0x1e6: {  	s2 =	simm.s32 $0x15100  }
0x1e7: {  	[tilespmem:s2], [sflag:$0xB] =	stream.indirect_vreg.gather [hbm4b:s6+s3], $0x80, v2, vm0, $0xb8;
	[tilespmem:$0x1E100] =	vst v63  }
0x1e8: {  	s4 =	simm.s32 $0x15900;
	s26 =	simm.s32 $0xD  }
0x1e9: {  	[tilespmem:s4], [sflag:$0xB] =	stream.indirect_vreg.gather [hbm4b:s7+s3], $0x80, v2, vm0, $0xb8;
	[tilespmem:$0x1E100] =	vst v63  }
0x1ea: {  	_ =	swait.ge [sflag:s26], $0x2000  }
0x1eb: {  	s9 =	simm.s32 $0x18100;
	[sflag:s26] =	ssyncset.done $0x0  }
0x1ec: {  	s23 =	simm.s32 $0x1B;
	s8 =	rddreg [dreg:$0x10];
	[sflag:s26] =	ssyncadd.s32 $0xFFFFE000  }
0x1ed: {  	[hbm4b:s8+s3] =	stream.linear.scatter [tilespmem:s9], [sflag:$0x1C], $0x2000, $0x38;
	[tilespmem:$0x1E100] =	vst v63  }
0x1ee: {  	_ =	swait.ge [sflag:s23], $0x2000  }
0x1ef: {  	[sflag:s23] =	ssyncset.done $0x0  }
0x1f0: {  	[sflag:s23] =	ssyncadd.s32 $0xFFFFE000  }
0x1f1: {  	v2 =	vld.msk [tilespmem:$0xD0], $0xff;
	_ =	sdelay $0x4  }
0x1f2: {  	v3 =	vshll.u32 v2, $0x3  }
0x1f3: {  	v2 =	vand.u32 $0x7, v2;
	v3 =	vand.u32 $0xFFFFFFC0, v3  }
0x1f4: {  	v2 =	vor.u32 v2, v3  }
0x1f5: {  	v2 =	vperm.xlane v2, v0;
	_ =	sdelay $0x1  }
0x1f6: {  	v2 =	vadd.s32 v1, v2;
	_ =	sdelay $0x4  }
0x1f7: {  	[tilespmem:s24], [sflag:$0xC] =	stream.indirect_vreg.gather [hbm4b:s21+s3], $0x80, v2, vm0, $0xb8;
	[tilespmem:$0x1E100] =	vst v63  }
0x1f8: {  	s10 =	simm.s32 $0x16900  }
0x1f9: {  	[tilespmem:s10], [sflag:$0xC] =	stream.indirect_vreg.gather [hbm4b:s5+s3], $0x80, v2, vm0, $0xb8;
	[tilespmem:$0x1E100] =	vst v63  }
0x1fa: {  	s15 =	simm.s32 $0x17100  }
0x1fb: {  	[tilespmem:s15], [sflag:$0xC] =	stream.indirect_vreg.gather [hbm4b:s6+s3], $0x80, v2, vm0, $0xb8;
	[tilespmem:$0x1E100] =	vst v63  }
0x1fc: {  	s1 =	simm.s32 $0xE;
	s24 =	simm.s32 $0x17900  }
0x1fd: {  	[tilespmem:s24], [sflag:$0xC] =	stream.indirect_vreg.gather [hbm4b:s7+s3], $0x80, v2, vm0, $0xb8;
	[tilespmem:$0x1E100] =	vst v63  }
0x1fe: {  	_ =	swait.ge [sflag:s1], $0x2000  }
0x1ff: {  	s8 =	simm.s32 $0x1A100;
	[sflag:s1] =	ssyncset.done $0x0  }
0x200: {  	s10 =	simm.s32 $0x1C;
	s2 =	rddreg [dreg:$0x11];
	[sflag:s1] =	ssyncadd.s32 $0xFFFFE000  }
0x201: {  	[hbm4b:s2+s3] =	stream.linear.scatter [tilespmem:s8], [sflag:$0x1D], $0x2000, $0x38;
	[tilespmem:$0x1E100] =	vst v63  }
0x202: {  	_ =	swait.ge [sflag:s10], $0x2000  }
0x203: {  	[sflag:s10] =	ssyncset.done $0x0  }
0x204: {  	[sflag:s10] =	ssyncadd.s32 $0xFFFFE000  }
0x205: {  	v2 =	vld.msk [tilespmem:$0xD8], $0xff;
	_ =	sdelay $0x4  }
0x206: {  	v3 =	vshll.u32 v2, $0x3  }
0x207: {  	v2 =	vand.u32 $0x7, v2;
	v3 =	vand.u32 $0xFFFFFFC0, v3  }
0x208: {  	v2 =	vor.u32 v2, v3  }
0x209: {  	v2 =	vperm.xlane v2, v0;
	_ =	sdelay $0x1  }
0x20a: {  	v2 =	vadd.s32 v1, v2;
	_ =	sdelay $0x4  }
0x20b: {  	[tilespmem:s9], [sflag:$0xD] =	stream.indirect_vreg.gather [hbm4b:s21+s3], $0x80, v2, vm0, $0xb8;
	[tilespmem:$0x1E100] =	vst v63  }
0x20c: {  	s9 =	simm.s32 $0x18900  }
0x20d: {  	[tilespmem:s9], [sflag:$0xD] =	stream.indirect_vreg.gather [hbm4b:s5+s3], $0x80, v2, vm0, $0xb8;
	[tilespmem:$0x1E100] =	vst v63  }
0x20e: {  	s15 =	simm.s32 $0x19100  }
0x20f: {  	[tilespmem:s15], [sflag:$0xD] =	stream.indirect_vreg.gather [hbm4b:s6+s3], $0x80, v2, vm0, $0xb8;
	[tilespmem:$0x1E100] =	vst v63  }
0x210: {  	s24 =	simm.s32 $0x19900;
	s2 =	simm.s32 $0xF  }
0x211: {  	[tilespmem:s24], [sflag:$0xD] =	stream.indirect_vreg.gather [hbm4b:s7+s3], $0x80, v2, vm0, $0xb8;
	[tilespmem:$0x1E100] =	vst v63  }
0x212: {  	_ =	swait.ge [sflag:s2], $0x2000  }
0x213: {  	s9 =	simm.s32 $0x1D;
	[sflag:s2] =	ssyncset.done $0x0  }
0x214: {  	s15 =	simm.s32 $0x1C100;
	s0 =	rddreg [dreg:$0x12];
	[sflag:s2] =	ssyncadd.s32 $0xFFFFE000  }
0x215: {  	[hbm4b:s0+s3] =	stream.linear.scatter [tilespmem:s15], [sflag:$0x1E], $0x2000, $0x38;
	[tilespmem:$0x1E100] =	vst v63  }
0x216: {  	_ =	swait.ge [sflag:s9], $0x2000  }
0x217: {  	[sflag:s9] =	ssyncset.done $0x0  }
0x218: {  	[sflag:s9] =	ssyncadd.s32 $0xFFFFE000  }
0x219: {  	v2 =	vld.msk [tilespmem:$0xE0], $0xff;
	_ =	sdelay $0x4  }
0x21a: {  	v3 =	vshll.u32 v2, $0x3  }
0x21b: {  	v2 =	vand.u32 $0x7, v2;
	v3 =	vand.u32 $0xFFFFFFC0, v3  }
0x21c: {  	v2 =	vor.u32 v2, v3  }
0x21d: {  	v2 =	vperm.xlane v2, v0;
	_ =	sdelay $0x1  }
0x21e: {  	v2 =	vadd.s32 v1, v2;
	_ =	sdelay $0x4  }
0x21f: {  	[tilespmem:s8], [sflag:$0xE] =	stream.indirect_vreg.gather [hbm4b:s21+s3], $0x80, v2, vm0, $0xb8;
	[tilespmem:$0x1E100] =	vst v63  }
0x220: {  	s8 =	simm.s32 $0x1A900  }
0x221: {  	[tilespmem:s8], [sflag:$0xE] =	stream.indirect_vreg.gather [hbm4b:s5+s3], $0x80, v2, vm0, $0xb8;
	[tilespmem:$0x1E100] =	vst v63  }
0x222: {  	s24 =	simm.s32 $0x1B100  }
0x223: {  	[tilespmem:s24], [sflag:$0xE] =	stream.indirect_vreg.gather [hbm4b:s6+s3], $0x80, v2, vm0, $0xb8;
	[tilespmem:$0x1E100] =	vst v63  }
0x224: {  	s4 =	simm.s32 $0x1B900  }
0x225: {  	[tilespmem:s4], [sflag:$0xE] =	stream.indirect_vreg.gather [hbm4b:s7+s3], $0x80, v2, vm0, $0xb8;
	[tilespmem:$0x1E100] =	vst v63  }
0x226: {  	_ =	swait.ge [sflag:s29], $0x2000  }
0x227: {  	[sflag:s29] =	ssyncset.done $0x0  }
0x228: {  	s0 =	simm.s32 $0x100;
	s8 =	rddreg [dreg:$0x13];
	[sflag:s29] =	ssyncadd.s32 $0xFFFFE000  }
0x229: {  	[hbm4b:s8+s3] =	stream.linear.scatter [tilespmem:s0], [sflag:$0x10], $0x2000, $0x38;
	[tilespmem:$0x1E100] =	vst v63  }
0x22a: {  	s8 =	simm.s32 $0x1E  }
0x22b: {  	_ =	swait.ge [sflag:s8], $0x2000  }
0x22c: {  	[sflag:s8] =	ssyncset.done $0x0  }
0x22d: {  	[sflag:s8] =	ssyncadd.s32 $0xFFFFE000  }
0x22e: {  	v2 =	vld.msk [tilespmem:$0xE8], $0xff;
	_ =	sdelay $0x4  }
0x22f: {  	v3 =	vshll.u32 v2, $0x3  }
0x230: {  	v2 =	vand.u32 $0x7, v2;
	v3 =	vand.u32 $0xFFFFFFC0, v3  }
0x231: {  	v2 =	vor.u32 v2, v3  }
0x232: {  	v2 =	vperm.xlane v2, v0;
	_ =	sdelay $0x1  }
0x233: {  	v2 =	vadd.s32 v1, v2;
	_ =	sdelay $0x4  }
0x234: {  	[tilespmem:s15], [sflag:$0xF] =	stream.indirect_vreg.gather [hbm4b:s21+s3], $0x80, v2, vm0, $0xb8;
	[tilespmem:$0x1E100] =	vst v63  }
0x235: {  	s24 =	simm.s32 $0x1C900  }
0x236: {  	[tilespmem:s24], [sflag:$0xF] =	stream.indirect_vreg.gather [hbm4b:s5+s3], $0x80, v2, vm0, $0xb8;
	[tilespmem:$0x1E100] =	vst v63  }
0x237: {  	s15 =	simm.s32 $0x1D100  }
0x238: {  	[tilespmem:s15], [sflag:$0xF] =	stream.indirect_vreg.gather [hbm4b:s6+s3], $0x80, v2, vm0, $0xb8;
	[tilespmem:$0x1E100] =	vst v63  }
0x239: {  	s24 =	simm.s32 $0x1D900  }
0x23a: {  	[tilespmem:s24], [sflag:$0xF] =	stream.indirect_vreg.gather [hbm4b:s7+s3], $0x80, v2, vm0, $0xb8;
	[tilespmem:$0x1E100] =	vst v63  }
0x23b: {  	_ =	swait.ge [sflag:s17], $0x2000  }
0x23c: {  	[sflag:s17] =	ssyncset.done $0x0  }
0x23d: {  	s24 =	simm.s32 $0x2100;
	s15 =	rddreg [dreg:$0x14];
	[sflag:s17] =	ssyncadd.s32 $0xFFFFE000  }
0x23e: {  	[hbm4b:s15+s3] =	stream.linear.scatter [tilespmem:s24], [sflag:$0x11], $0x2000, $0x38;
	[tilespmem:$0x1E100] =	vst v63  }
0x23f: {  	s15 =	simm.s32 $0x10  }
0x240: {  	_ =	swait.ge [sflag:s15], $0x2000  }
0x241: {  	[sflag:s15] =	ssyncset.done $0x0  }
0x242: {  	[sflag:s15] =	ssyncadd.s32 $0xFFFFE000  }
0x243: {  	v2 =	vld.msk [tilespmem:$0xF0], $0xff;
	_ =	sdelay $0x4  }
0x244: {  	v3 =	vshll.u32 v2, $0x3  }
0x245: {  	v2 =	vand.u32 $0x7, v2;
	v3 =	vand.u32 $0xFFFFFFC0, v3  }
0x246: {  	v2 =	vor.u32 v2, v3  }
0x247: {  	v2 =	vperm.xlane v2, v0;
	_ =	sdelay $0x1  }
0x248: {  	v2 =	vadd.s32 v1, v2;
	_ =	sdelay $0x4  }
0x249: {  	[tilespmem:s0], [sflag:$0x1] =	stream.indirect_vreg.gather [hbm4b:s21+s3], $0x80, v2, vm0, $0xb8;
	[tilespmem:$0x1E100] =	vst v63  }
0x24a: {  	s4 =	simm.s32 $0x900  }
0x24b: {  	[tilespmem:s4], [sflag:$0x1] =	stream.indirect_vreg.gather [hbm4b:s5+s3], $0x80, v2, vm0, $0xb8;
	[tilespmem:$0x1E100] =	vst v63  }
0x24c: {  	s4 =	simm.s32 $0x1100  }
0x24d: {  	[tilespmem:s4], [sflag:$0x1] =	stream.indirect_vreg.gather [hbm4b:s6+s3], $0x80, v2, vm0, $0xb8;
	[tilespmem:$0x1E100] =	vst v63  }
0x24e: {  	s0 =	simm.s32 $0x3;
	s4 =	simm.s32 $0x1900  }
0x24f: {  	[tilespmem:s4], [sflag:$0x1] =	stream.indirect_vreg.gather [hbm4b:s7+s3], $0x80, v2, vm0, $0xb8;
	[tilespmem:$0x1E100] =	vst v63  }
0x250: {  	_ =	swait.ge [sflag:s0], $0x2000  }
0x251: {  	[sflag:s0] =	ssyncset.done $0x0  }
0x252: {  	s4 =	rddreg [dreg:$0x15];
	[sflag:s0] =	ssyncadd.s32 $0xFFFFE000;
	s0 =	simm.s32 $0x4100  }
0x253: {  	[hbm4b:s4+s3] =	stream.linear.scatter [tilespmem:s0], [sflag:$0x12], $0x2000, $0x38;
	[tilespmem:$0x1E100] =	vst v63  }
0x254: {  	_ =	swait.ge [sflag:s31], $0x2000  }
0x255: {  	[sflag:s31] =	ssyncset.done $0x0  }
0x256: {  	[sflag:s31] =	ssyncadd.s32 $0xFFFFE000  }
0x257: {  	v2 =	vld.msk [tilespmem:$0xF8], $0xff;
	_ =	sdelay $0x4  }
0x258: {  	v3 =	vshll.u32 v2, $0x3  }
0x259: {  	v2 =	vand.u32 $0x7, v2;
	v3 =	vand.u32 $0xFFFFFFC0, v3  }
0x25a: {  	v2 =	vor.u32 v2, v3  }
0x25b: {  	v2 =	vperm.xlane v2, v0;
	_ =	sdelay $0x1  }
0x25c: {  	v2 =	vadd.s32 v1, v2;
	_ =	sdelay $0x4  }
0x25d: {  	[tilespmem:s24], [sflag:$0x2] =	stream.indirect_vreg.gather [hbm4b:s21+s3], $0x80, v2, vm0, $0xb8;
	[tilespmem:$0x1E100] =	vst v63  }
0x25e: {  	s4 =	simm.s32 $0x2900  }
0x25f: {  	[tilespmem:s4], [sflag:$0x2] =	stream.indirect_vreg.gather [hbm4b:s5+s3], $0x80, v2, vm0, $0xb8;
	[tilespmem:$0x1E100] =	vst v63  }
0x260: {  	s4 =	simm.s32 $0x3100  }
0x261: {  	[tilespmem:s4], [sflag:$0x2] =	stream.indirect_vreg.gather [hbm4b:s6+s3], $0x80, v2, vm0, $0xb8;
	[tilespmem:$0x1E100] =	vst v63  }
0x262: {  	s0 =	simm.s32 $0x4;
	s4 =	simm.s32 $0x3900  }
0x263: {  	[tilespmem:s4], [sflag:$0x2] =	stream.indirect_vreg.gather [hbm4b:s7+s3], $0x80, v2, vm0, $0xb8;
	[tilespmem:$0x1E100] =	vst v63  }
0x264: {  	_ =	swait.ge [sflag:s0], $0x2000  }
0x265: {  	[sflag:s0] =	ssyncset.done $0x0  }
0x266: {  	s4 =	rddreg [dreg:$0x16];
	[sflag:s0] =	ssyncadd.s32 $0xFFFFE000;
	s0 =	simm.s32 $0x6100  }
0x267: {  	[hbm4b:s4+s3] =	stream.linear.scatter [tilespmem:s0], [sflag:$0x13], $0x2000, $0x38;
	[tilespmem:$0x1E100] =	vst v63  }
0x268: {  	_ =	swait.ge [sflag:s20], $0x2000  }
0x269: {  	[sflag:s20] =	ssyncset.done $0x0  }
0x26a: {  	s4 =	rddreg [dreg:$0x17];
	[sflag:s20] =	ssyncadd.s32 $0xFFFFE000;
	s20 =	simm.s32 $0x8100  }
0x26b: {  	[hbm4b:s4+s3] =	stream.linear.scatter [tilespmem:s20], [sflag:$0x14], $0x2000, $0x38;
	[tilespmem:$0x1E100] =	vst v63  }
0x26c: {  	s0 =	sld [smem:$0x7F6];
	_ =	swait.ge [sflag:s19], $0x2000  }
0x26d: {  	[sflag:s19] =	ssyncset.done $0x0  }
0x26e: {  	s20 =	simm.s32 $0xA100;
	s4 =	rddreg [dreg:$0x18];
	[sflag:s19] =	ssyncadd.s32 $0xFFFFE000  }
0x26f: {  	[hbm4b:s4+s3] =	stream.linear.scatter [tilespmem:s20], [sflag:$0x15], $0x2000, $0x38;
	[tilespmem:$0x1E100] =	vst v63  }
0x270: {  	_ =	swait.ge [sflag:s14], $0x2000  }
0x271: {  	[sflag:s14] =	ssyncset.done $0x0  }
0x272: {  	s20 =	simm.s32 $0xC100;
	s19 =	rddreg [dreg:$0x19];
	[sflag:s14] =	ssyncadd.s32 $0xFFFFE000  }
0x273: {  	[hbm4b:s19+s3] =	stream.linear.scatter [tilespmem:s20], [sflag:$0x16], $0x2000, $0x38;
	[tilespmem:$0x1E100] =	vst v63  }
0x274: {  	_ =	swait.ge [sflag:s13], $0x2000  }
0x275: {  	[sflag:s13] =	ssyncset.done $0x0  }
0x276: {  	s20 =	simm.s32 $0xE100;
	s19 =	rddreg [dreg:$0x1a];
	[sflag:s13] =	ssyncadd.s32 $0xFFFFE000  }
0x277: {  	[hbm4b:s19+s3] =	stream.linear.scatter [tilespmem:s20], [sflag:$0x17], $0x2000, $0x38;
	[tilespmem:$0x1E100] =	vst v63  }
0x278: {  	_ =	swait.ge [sflag:s16], $0x2000  }
0x279: {  	[sflag:s16] =	ssyncset.done $0x0  }
0x27a: {  	s19 =	simm.s32 $0x10100;
	s14 =	rddreg [dreg:$0x1b];
	[sflag:s16] =	ssyncadd.s32 $0xFFFFE000  }
0x27b: {  	[hbm4b:s14+s3] =	stream.linear.scatter [tilespmem:s19], [sflag:$0x18], $0x2000, $0x38;
	[tilespmem:$0x1E100] =	vst v63  }
0x27c: {  	_ =	swait.ge [sflag:s22], $0x2000  }
0x27d: {  	[sflag:s22] =	ssyncset.done $0x0  }
0x27e: {  	s20 =	rddreg [dreg:$0x1c];
	[sflag:s22] =	ssyncadd.s32 $0xFFFFE000;
	s22 =	simm.s32 $0x12100  }
0x27f: {  	[hbm4b:s20+s3] =	stream.linear.scatter [tilespmem:s22], [sflag:$0x19], $0x2000, $0x38;
	[tilespmem:$0x1E100] =	vst v63  }
0x280: {  	_ =	swait.ge [sflag:s28], $0x2000  }
0x281: {  	[sflag:s28] =	ssyncset.done $0x0  }
0x282: {  	s14 =	simm.s32 $0x14100;
	s13 =	rddreg [dreg:$0x1d];
	[sflag:s28] =	ssyncadd.s32 $0xFFFFE000  }
0x283: {  	[hbm4b:s13+s3] =	stream.linear.scatter [tilespmem:s14], [sflag:$0x1A], $0x2000, $0x38;
	[tilespmem:$0x1E100] =	vst v63  }
0x284: {  	_ =	swait.ge [sflag:s11], $0x2000  }
0x285: {  	[sflag:s11] =	ssyncset.done $0x0  }
0x286: {  	s19 =	simm.s32 $0x16100;
	s16 =	rddreg [dreg:$0x1e];
	[sflag:s11] =	ssyncadd.s32 $0xFFFFE000  }
0x287: {  	[hbm4b:s16+s3] =	stream.linear.scatter [tilespmem:s19], [sflag:$0x1B], $0x2000, $0x38;
	[tilespmem:$0x1E100] =	vst v63  }
0x288: {  	_ =	swait.ge [sflag:s26], $0x2000  }
0x289: {  	[sflag:s26] =	ssyncset.done $0x0  }
0x28a: {  	s22 =	simm.s32 $0x18100;
	s20 =	rddreg [dreg:$0x1f];
	[sflag:s26] =	ssyncadd.s32 $0xFFFFE000  }
0x28b: {  	[hbm4b:s20+s3] =	stream.linear.scatter [tilespmem:s22], [sflag:$0x1C], $0x2000, $0x38;
	[tilespmem:$0x1E100] =	vst v63  }
0x28c: {  	_ =	swait.ge [sflag:s1], $0x2000  }
0x28d: {  	s26 =	sld [smem:$0x7F7]  }
0x28e: {  	[sflag:s1] =	ssyncset.done $0x0  }
0x28f: {  	s28 =	simm.s32 $0x1A100;
	[sflag:s1] =	ssyncadd.s32 $0xFFFFE000  }
0x290: {  	[hbm4b:s26+s3] =	stream.linear.scatter [tilespmem:s28], [sflag:$0x1D], $0x2000, $0x38;
	[tilespmem:$0x1E100] =	vst v63  }
0x291: {  	_ =	swait.ge [sflag:s2], $0x2000  }
0x292: {  	s11 =	sld [smem:$0x7F8]  }
0x293: {  	[sflag:s2] =	ssyncset.done $0x0  }
0x294: {  	s13 =	simm.s32 $0x1C100;
	[sflag:s2] =	ssyncadd.s32 $0xFFFFE000  }
0x295: {  	[hbm4b:s11+s3] =	stream.linear.scatter [tilespmem:s13], [sflag:$0x1E], $0x2000, $0x38;
	[tilespmem:$0x1E100] =	vst v63  }
0x296: {  	_ =	swait.ge [sflag:s29], $0x2000  }
0x297: {  	s14 =	sld [smem:$0x7F9]  }
0x298: {  	[sflag:s29] =	ssyncset.done $0x0  }
0x299: {  	s16 =	simm.s32 $0x100;
	[sflag:s29] =	ssyncadd.s32 $0xFFFFE000  }
0x29a: {  	[hbm4b:s14+s3] =	stream.linear.scatter [tilespmem:s16], [sflag:$0x10], $0x2000, $0x38;
	[tilespmem:$0x1E100] =	vst v63  }
0x29b: {  	_ =	swait.ge [sflag:s17], $0x2000  }
0x29c: {  	s19 =	sld [smem:$0x7FB]  }
0x29d: {  	[sflag:s17] =	ssyncset.done $0x0  }
0x29e: {  	s24 =	simm.s32 $0x2100;
	s20 =	simm.s32 $0x12;
	[sflag:s17] =	ssyncadd.s32 $0xFFFFE000  }
0x29f: {  	[hbm4b:s19+s3] =	stream.linear.scatter [tilespmem:s24], [sflag:$0x11], $0x2000, $0x38;
	[tilespmem:$0x1E100] =	vst v63  }
0x2a0: {  	_ =	swait.ge [sflag:s20], $0x2000  }
0x2a1: {  	[sflag:s20] =	ssyncset.done $0x0  }
0x2a2: {  	s22 =	simm.s32 $0x13;
	[sflag:s20] =	ssyncadd.s32 $0xFFFFE000  }
0x2a3: {  	_ =	swait.ge [sflag:s22], $0x2000  }
0x2a4: {  	[sflag:s22] =	ssyncset.done $0x0  }
0x2a5: {  	s24 =	simm.s32 $0x14;
	[sflag:s22] =	ssyncadd.s32 $0xFFFFE000  }
0x2a6: {  	_ =	swait.ge [sflag:s24], $0x2000  }
0x2a7: {  	[sflag:s24] =	ssyncset.done $0x0  }
0x2a8: {  	s26 =	simm.s32 $0x15;
	[sflag:s24] =	ssyncadd.s32 $0xFFFFE000  }
0x2a9: {  	_ =	swait.ge [sflag:s26], $0x2000  }
0x2aa: {  	[sflag:s26] =	ssyncset.done $0x0  }
0x2ab: {  	s28 =	simm.s32 $0x16;
	[sflag:s26] =	ssyncadd.s32 $0xFFFFE000  }
0x2ac: {  	_ =	swait.ge [sflag:s28], $0x2000  }
0x2ad: {  	[sflag:s28] =	ssyncset.done $0x0  }
0x2ae: {  	[sflag:s28] =	ssyncadd.s32 $0xFFFFE000  }
0x2af: {  	_ =	swait.ge [sflag:s18], $0x2000  }
0x2b0: {  	[sflag:s18] =	ssyncset.done $0x0  }
0x2b1: {  	[sflag:s18] =	ssyncadd.s32 $0xFFFFE000  }
0x2b2: {  	_ =	swait.ge [sflag:s25], $0x2000  }
0x2b3: {  	[sflag:s25] =	ssyncset.done $0x0  }
0x2b4: {  	[sflag:s25] =	ssyncadd.s32 $0xFFFFE000  }
0x2b5: {  	_ =	swait.ge [sflag:s30], $0x2000  }
0x2b6: {  	[sflag:s30] =	ssyncset.done $0x0  }
0x2b7: {  	[sflag:s30] =	ssyncadd.s32 $0xFFFFE000  }
0x2b8: {  	_ =	swait.ge [sflag:s12], $0x2000  }
0x2b9: {  	[sflag:s12] =	ssyncset.done $0x0  }
0x2ba: {  	[sflag:s12] =	ssyncadd.s32 $0xFFFFE000  }
0x2bb: {  	_ =	swait.ge [sflag:s23], $0x2000  }
0x2bc: {  	[sflag:s23] =	ssyncset.done $0x0  }
0x2bd: {  	[sflag:s23] =	ssyncadd.s32 $0xFFFFE000  }
0x2be: {  	_ =	swait.ge [sflag:s10], $0x2000  }
0x2bf: {  	[sflag:s10] =	ssyncset.done $0x0  }
0x2c0: {  	[sflag:s10] =	ssyncadd.s32 $0xFFFFE000  }
0x2c1: {  	_ =	swait.ge [sflag:s9], $0x2000  }
0x2c2: {  	[sflag:s9] =	ssyncset.done $0x0  }
0x2c3: {  	[sflag:s9] =	ssyncadd.s32 $0xFFFFE000  }
0x2c4: {  	_ =	swait.ge [sflag:s8], $0x2000  }
0x2c5: {  	[sflag:s8] =	ssyncset.done $0x0  }
0x2c6: {  	s15 =	simm.s32 $0x10;
	[sflag:s8] =	ssyncadd.s32 $0xFFFFE000  }
0x2c7: {  	p0 =	sne.s32 s0, $0x1;
	_ =	swait.ge [sflag:s15], $0x2000  }
.Ltmp0:
0x2c8: {  	[sflag:s15] =	ssyncset.done $0x0;
	(pc) =	sbr.rel @p0 .LBB2_1-.Ltmp0, $4  }
0x2c9: {  	[sflag:s15] =	ssyncadd.s32 $0xFFFFE000  }
0x2ca: {  	_ =	swait.ge [sflag:s31], $0x2000  }
0x2cb: {  	[sflag:s31] =	ssyncset.done $0x0  }
0x2cc: {  	s0 =	sadd.s32 $0xFFFFFFFF, s0;
	[sflag:s31] =	ssyncadd.s32 $0xFFFFE000  }
0x2cd: {  	_ =	sfence.sel $0x180000  }
0x2ce: {  	[bflag:$0x0] =	sbarrier.arrive $0xFFFF  }
0x2cf: {  	_ =	strace $0x90000047  }
0x2d0: {  	s0 =	stileid.u32;
	[bflag:$0x2] =	sbarrier.arrive $0xFFFF  }
0x2d1: {  	p0 =	sne.s32 s0, $0x0;
	s0 =	rddreg [dreg:$0x3]  }
0x2d2: {  	s0 =	sadd.s32 @!p0 $0x100000, s0  }
0x2d3: {  	[sflag:s0] =	ssyncadd.tile.s32 @!p0 $0x1;
	_ =	shalt  }
.Lfunc_end2:
_tile_overlayer_lowered:
.L_overlay_start_2:
0x2d4: {  	(tag) =	ssettag $0x2  }
0x2d5: {  	s0 =	rddreg [dreg:$0x0];
	s2 =	stileid.u32  }
0x2d6: {  	s1 =	rddreg [dreg:$0x1];
	p0 =	sne.s32 s2, $0x0  }
0x2d7: {  	s3 =	rddreg [dreg:$0x2];
	[bflag:$0x3] =	sbarrier.arrive $0xFFFF;
	s2 =	simm.s32 @!p0 $0x1C1F  }
0x2d8: {  	[timem:s3], [sflag:s2] =	dma.local @!p0 [hbm:s0], s1  }
0x2d9: {  	s0 =	simm.s32 @!p0 $0x1F  }
0x2da: {  	_ =	swait.ge @!p0 [sflag:s0], s1  }
0x2db: {  	s1 =	ssub.s32 @!p0 $0x0, s1;
	[sflag:s0] =	ssyncset.done @!p0 $0x0  }
0x2dc: {  	[sflag:s0] =	ssyncadd.s32 @!p0 s1  }
0x2dd: {  	[bflag:$0x3] =	sbarrier.arrive $0xFFFF  }
0x2de: {  	_ =	shalt  }

</sc_bundles>
